<compile_context>
chip_gen: v7x
topology: tpu7x:2x2x1
jax: 0.10.2.dev20260603
libtpu: 0.0.44.dev20260713+nightly
codegen_flags: <defaults>
</compile_context>

<pallas_src>
import functools

import jax
import jax.numpy as jnp
from jax import lax
from jax.experimental import pallas as pl
from jax.experimental.pallas import tpu as pltpu
from jax.experimental.pallas import tpu_sc as plsc

VOCAB = 1000000
EMBED_DIM = 32
BATCH = 16384
HIST = 50

_B = BATCH * HIST
_NC, _NS = 2, 16
_NW = _NC * _NS
_PER_W = _B // _NW
_CHUNK = 512
_NBUF = 5
_MACRO = _PER_W // _CHUNK


def _embed_kernel(table_hbm, idx_hbm, out_hbm, idx_v, rows_v, gsem, osem):
  wid = lax.axis_index("s") * _NC + lax.axis_index("c")
  pltpu.sync_copy(idx_hbm.at[pl.ds(wid * _PER_W, _PER_W)], idx_v)
  row_base = wid * _PER_W

  def fire_gather(m, b):
    pltpu.async_copy(
        table_hbm.at[idx_v.at[pl.ds(m * _CHUNK, _CHUNK)]],
        rows_v.at[b],
        gsem.at[b],
    )

  def drain_gather(b):
    pltpu.make_async_copy(
        table_hbm.at[idx_v.at[pl.ds(0, _CHUNK)]],
        rows_v.at[b],
        gsem.at[b],
    ).wait()

  def fire_out(m, b):
    pltpu.async_copy(
        rows_v.at[b],
        out_hbm.at[pl.ds(row_base + m * _CHUNK, _CHUNK)],
        osem.at[b],
    )

  def wait_out(b):
    pltpu.make_async_copy(
        rows_v.at[b],
        out_hbm.at[pl.ds(0, _CHUNK)],
        osem.at[b],
    ).wait()

  for g in range(_NBUF - 1):
    fire_gather(g, g)

  @pl.loop(0, _MACRO, step=_NBUF)
  def _ring(m0):
    for b0 in range(_NBUF):
      m = m0 + b0
      nb = (b0 + _NBUF - 1) % _NBUF
      @pl.when(m + _NBUF - 1 < _MACRO)
      def _():
        @pl.when(m > 0)
        def _():
          wait_out(nb)
        fire_gather(m + _NBUF - 1, nb)
      drain_gather(b0)
      fire_out(m, b0)

  for b in range(_NBUF):
    wait_out(b)


@jax.jit
def _embed(weight, idx):
  mesh = plsc.VectorSubcoreMesh(core_axis_name="c", subcore_axis_name="s")
  run = pl.kernel(
      _embed_kernel,
      out_type=jax.ShapeDtypeStruct((_B, EMBED_DIM), jnp.float32),
      mesh=mesh,
      scratch_types=[
          pltpu.VMEM((_PER_W,), jnp.int32),
          pltpu.VMEM((_NBUF, _CHUNK, EMBED_DIM), jnp.float32),
          pltpu.SemaphoreType.DMA((_NBUF,)),
          pltpu.SemaphoreType.DMA((_NBUF,)),
      ],
      compiler_params=pltpu.CompilerParams(use_tc_tiling_on_sc=False),
  )
  return run(weight, idx)


def kernel(x, weight):
  idx = x.reshape(-1).astype(jnp.int32)
  flat = _embed(weight, idx)
  return flat.reshape(x.shape + (EMBED_DIM,))

# --- scband reference (transcript-rebuilt; emitter-appended) ---
"""Pipeline reference for scband-word-embedding-80728205295850 (READ-ONLY COPY).

The authoritative reference and input builder live on the scoring server;
editing this copy changes nothing except your own understanding.
"""

import jax, jax.numpy as jnp
import numpy as np

VOCAB = 1000000
EMBED_DIM = 32
BATCH = 16384
HIST = 50

def setup_inputs(seed: int = 0) -> dict:
    key = jax.random.key(seed)
    k_idx, k_w = jax.random.split(key)
    x = jax.random.randint(k_idx, (BATCH, HIST), 0, VOCAB, dtype=jnp.int64)
    # nn.Embedding default init: N(0, 1)
    weight = jax.random.normal(k_w, (VOCAB, EMBED_DIM), dtype=jnp.float32)
    return {"x": x, "weight": weight}

def reference(x, weight):
    # flatten to [-1, last_dim], lookup, reshape back with embed dim appended
    flat_x = x.reshape(-1, x.shape[-1])
    flat_out = jnp.take(weight, flat_x, axis=0)
    out = flat_out.reshape(x.shape + (flat_out.shape[-1],))
    return out

if __name__ == "__main__":
    import jax
    _d = setup_inputs()
    print(jax.jit(kernel)(*tuple(_d.values())))

</pallas_src>

<mosaic_0001>
#map = affine_map<(d0, d1) -> (0, 0)>
#map1 = affine_map<(d0, d1) -> (0)>
module attributes {stable_mosaic.version = 14 : i64} {
  func.func @_embed_kernel(%arg0: i32, %arg1: i32, %arg2: memref<1000000x32xf32, #tpu.memory_space<hbm>>, %arg3: memref<819200xi32, #tpu.memory_space<hbm>>, %arg4: memref<819200x32xf32, #tpu.memory_space<hbm>>, %arg5: memref<25600xi32, #tpu.memory_space<vmem>>, %arg6: memref<5x512x32xf32, #tpu.memory_space<vmem>>, %arg7: memref<5x!tpu.dma_semaphore, #tpu.memory_space<semaphore_mem>>, %arg8: memref<5x!tpu.dma_semaphore, #tpu.memory_space<semaphore_mem>>) attributes {dimension_semantics = [#tpu.dimension_semantics<core_parallel>, #tpu.dimension_semantics<subcore_parallel>], iteration_bounds = array<i64: 2, 16>, scalar_prefetch = 0 : i64, scratch_operands = 4 : i64, tpu.core_type = #tpu.core_type<sc_vector_subcore>, window_params = [{transform_indices = #map}, {transform_indices = #map1}, {transform_indices = #map}]} {
    %mul3A = arith.constant 2 : i32
    %mul3A_0 = arith.muli %arg1, %mul3A : i32
    %add3A = arith.addi %mul3A_0, %arg0 : i32
    %mul3A_1 = arith.constant 25600 : i32
    %mul3A_2 = arith.muli %add3A, %mul3A_1 : i32
    "tpu.region"() ({
      %run_scoped3A = tpu.sem_alloc : memref<!tpu.dma_semaphore, #tpu.memory_space<semaphore_mem>>
      %dma_start3A_149 = tpu.memref_slice %arg3[%mul3A_2] : memref<819200xi32, #tpu.memory_space<hbm>> -> memref<25600xi32, #tpu.memory_space<hbm>>
      %dma_start3A_150 = tpu.memref_slice %arg3[%mul3A_2] : memref<819200xi32, #tpu.memory_space<hbm>> -> memref<25600xi32, #tpu.memory_space<hbm>>
      tpu.enqueue_dma source(%dma_start3A_150 : memref<25600xi32, #tpu.memory_space<hbm>>) target(%arg5 : memref<25600xi32, #tpu.memory_space<vmem>>) target_semaphore(%run_scoped3A : memref<!tpu.dma_semaphore, #tpu.memory_space<semaphore_mem>>)
      %dma_wait3A_151 = tpu.memref_slice %arg3[%mul3A_2] : memref<819200xi32, #tpu.memory_space<hbm>> -> memref<25600xi32, #tpu.memory_space<hbm>>
      %dma_wait3A_152 = tpu.memref_slice %arg3[%mul3A_2] : memref<819200xi32, #tpu.memory_space<hbm>> -> memref<25600xi32, #tpu.memory_space<hbm>>
      tpu.wait_dma2 semaphore(%run_scoped3A : memref<!tpu.dma_semaphore, #tpu.memory_space<semaphore_mem>>) src(%dma_wait3A_152 : memref<25600xi32, #tpu.memory_space<hbm>>) dst(%arg5 : memref<25600xi32, #tpu.memory_space<vmem>>)
      tpu.yield
    }) : () -> ()
    %mul3A_3 = arith.constant 25600 : i32
    %mul3A_4 = arith.muli %add3A, %mul3A_3 : i32
    %dma_start3A = arith.constant 0 : i32
    %dma_start3A_5 = arith.constant 0 : i32
    %dma_start3A_6 = arith.constant 0 : i32
    %dma_start3A_7 = arith.constant 0 : i32
    %dma_start3A_8 = tpu.memref_slice %arg6[%dma_start3A, %dma_start3A_6, %dma_start3A_7] : memref<5x512x32xf32, #tpu.memory_space<vmem>> -> memref<1x512x32xf32, #tpu.memory_space<vmem>>
    %dma_start3A_9 = tpu.memref_squeeze %dma_start3A_8 : memref<1x512x32xf32, #tpu.memory_space<vmem>> -> memref<512x32xf32, #tpu.memory_space<vmem>>
    %dma_start3A_10 = arith.constant 0 : i32
    %dma_start3A_11 = tpu.memref_slice %arg5[%dma_start3A_10] : memref<25600xi32, #tpu.memory_space<vmem>> -> memref<512xi32, #tpu.memory_space<vmem>>
    %dma_start3A_12 = arith.constant 0 : i32
    %dma_start3A_13 = arith.constant 0 : i32
    %dma_start3A_14 = tpu.memref_slice %arg2[%dma_start3A_12, %dma_start3A_13] : memref<1000000x32xf32, #tpu.memory_space<hbm>> -> memref<1000000x32xf32, #tpu.memory_space<hbm>>
    %dma_start3A_15 = tpu.memref_slice %arg7[%dma_start3A_5] : memref<5x!tpu.dma_semaphore, #tpu.memory_space<semaphore_mem>> -> memref<1x!tpu.dma_semaphore, #tpu.memory_space<semaphore_mem>>
    %dma_start3A_16 = tpu.memref_squeeze %dma_start3A_15 : memref<1x!tpu.dma_semaphore, #tpu.memory_space<semaphore_mem>> -> memref<!tpu.dma_semaphore, #tpu.memory_space<semaphore_mem>>
    tpu.enqueue_indirect_dma source(%dma_start3A_14 : memref<1000000x32xf32, #tpu.memory_space<hbm>>) target(%dma_start3A_9 : memref<512x32xf32, #tpu.memory_space<vmem>>) offsets(%dma_start3A_11 : memref<512xi32, #tpu.memory_space<vmem>>) semaphore(%dma_start3A_16 : memref<!tpu.dma_semaphore, #tpu.memory_space<semaphore_mem>>)
    %dma_start3A_17 = arith.constant 1 : i32
    %dma_start3A_18 = arith.constant 1 : i32
    %dma_start3A_19 = arith.constant 0 : i32
    %dma_start3A_20 = arith.constant 0 : i32
    %dma_start3A_21 = tpu.memref_slice %arg6[%dma_start3A_17, %dma_start3A_19, %dma_start3A_20] : memref<5x512x32xf32, #tpu.memory_space<vmem>> -> memref<1x512x32xf32, #tpu.memory_space<vmem>>
    %dma_start3A_22 = tpu.memref_squeeze %dma_start3A_21 : memref<1x512x32xf32, #tpu.memory_space<vmem>> -> memref<512x32xf32, #tpu.memory_space<vmem>>
    %dma_start3A_23 = arith.constant 512 : i32
    %dma_start3A_24 = tpu.memref_slice %arg5[%dma_start3A_23] : memref<25600xi32, #tpu.memory_space<vmem>> -> memref<512xi32, #tpu.memory_space<vmem>>
    %dma_start3A_25 = arith.constant 0 : i32
    %dma_start3A_26 = arith.constant 0 : i32
    %dma_start3A_27 = tpu.memref_slice %arg2[%dma_start3A_25, %dma_start3A_26] : memref<1000000x32xf32, #tpu.memory_space<hbm>> -> memref<1000000x32xf32, #tpu.memory_space<hbm>>
    %dma_start3A_28 = tpu.memref_slice %arg7[%dma_start3A_18] : memref<5x!tpu.dma_semaphore, #tpu.memory_space<semaphore_mem>> -> memref<1x!tpu.dma_semaphore, #tpu.memory_space<semaphore_mem>>
    %dma_start3A_29 = tpu.memref_squeeze %dma_start3A_28 : memref<1x!tpu.dma_semaphore, #tpu.memory_space<semaphore_mem>> -> memref<!tpu.dma_semaphore, #tpu.memory_space<semaphore_mem>>
    tpu.enqueue_indirect_dma source(%dma_start3A_27 : memref<1000000x32xf32, #tpu.memory_space<hbm>>) target(%dma_start3A_22 : memref<512x32xf32, #tpu.memory_space<vmem>>) offsets(%dma_start3A_24 : memref<512xi32, #tpu.memory_space<vmem>>) semaphore(%dma_start3A_29 : memref<!tpu.dma_semaphore, #tpu.memory_space<semaphore_mem>>)
    %dma_start3A_30 = arith.constant 2 : i32
    %dma_start3A_31 = arith.constant 2 : i32
    %dma_start3A_32 = arith.constant 0 : i32
    %dma_start3A_33 = arith.constant 0 : i32
    %dma_start3A_34 = tpu.memref_slice %arg6[%dma_start3A_30, %dma_start3A_32, %dma_start3A_33] : memref<5x512x32xf32, #tpu.memory_space<vmem>> -> memref<1x512x32xf32, #tpu.memory_space<vmem>>
    %dma_start3A_35 = tpu.memref_squeeze %dma_start3A_34 : memref<1x512x32xf32, #tpu.memory_space<vmem>> -> memref<512x32xf32, #tpu.memory_space<vmem>>
    %dma_start3A_36 = arith.constant 1024 : i32
    %dma_start3A_37 = tpu.memref_slice %arg5[%dma_start3A_36] : memref<25600xi32, #tpu.memory_space<vmem>> -> memref<512xi32, #tpu.memory_space<vmem>>
    %dma_start3A_38 = arith.constant 0 : i32
    %dma_start3A_39 = arith.constant 0 : i32
    %dma_start3A_40 = tpu.memref_slice %arg2[%dma_start3A_38, %dma_start3A_39] : memref<1000000x32xf32, #tpu.memory_space<hbm>> -> memref<1000000x32xf32, #tpu.memory_space<hbm>>
    %dma_start3A_41 = tpu.memref_slice %arg7[%dma_start3A_31] : memref<5x!tpu.dma_semaphore, #tpu.memory_space<semaphore_mem>> -> memref<1x!tpu.dma_semaphore, #tpu.memory_space<semaphore_mem>>
    %dma_start3A_42 = tpu.memref_squeeze %dma_start3A_41 : memref<1x!tpu.dma_semaphore, #tpu.memory_space<semaphore_mem>> -> memref<!tpu.dma_semaphore, #tpu.memory_space<semaphore_mem>>
    tpu.enqueue_indirect_dma source(%dma_start3A_40 : memref<1000000x32xf32, #tpu.memory_space<hbm>>) target(%dma_start3A_35 : memref<512x32xf32, #tpu.memory_space<vmem>>) offsets(%dma_start3A_37 : memref<512xi32, #tpu.memory_space<vmem>>) semaphore(%dma_start3A_42 : memref<!tpu.dma_semaphore, #tpu.memory_space<semaphore_mem>>)
    %dma_start3A_43 = arith.constant 3 : i32
    %dma_start3A_44 = arith.constant 3 : i32
    %dma_start3A_45 = arith.constant 0 : i32
    %dma_start3A_46 = arith.constant 0 : i32
    %dma_start3A_47 = tpu.memref_slice %arg6[%dma_start3A_43, %dma_start3A_45, %dma_start3A_46] : memref<5x512x32xf32, #tpu.memory_space<vmem>> -> memref<1x512x32xf32, #tpu.memory_space<vmem>>
    %dma_start3A_48 = tpu.memref_squeeze %dma_start3A_47 : memref<1x512x32xf32, #tpu.memory_space<vmem>> -> memref<512x32xf32, #tpu.memory_space<vmem>>
    %dma_start3A_49 = arith.constant 1536 : i32
    %dma_start3A_50 = tpu.memref_slice %arg5[%dma_start3A_49] : memref<25600xi32, #tpu.memory_space<vmem>> -> memref<512xi32, #tpu.memory_space<vmem>>
    %dma_start3A_51 = arith.constant 0 : i32
    %dma_start3A_52 = arith.constant 0 : i32
    %dma_start3A_53 = tpu.memref_slice %arg2[%dma_start3A_51, %dma_start3A_52] : memref<1000000x32xf32, #tpu.memory_space<hbm>> -> memref<1000000x32xf32, #tpu.memory_space<hbm>>
    %dma_start3A_54 = tpu.memref_slice %arg7[%dma_start3A_44] : memref<5x!tpu.dma_semaphore, #tpu.memory_space<semaphore_mem>> -> memref<1x!tpu.dma_semaphore, #tpu.memory_space<semaphore_mem>>
    %dma_start3A_55 = tpu.memref_squeeze %dma_start3A_54 : memref<1x!tpu.dma_semaphore, #tpu.memory_space<semaphore_mem>> -> memref<!tpu.dma_semaphore, #tpu.memory_space<semaphore_mem>>
    tpu.enqueue_indirect_dma source(%dma_start3A_53 : memref<1000000x32xf32, #tpu.memory_space<hbm>>) target(%dma_start3A_48 : memref<512x32xf32, #tpu.memory_space<vmem>>) offsets(%dma_start3A_50 : memref<512xi32, #tpu.memory_space<vmem>>) semaphore(%dma_start3A_55 : memref<!tpu.dma_semaphore, #tpu.memory_space<semaphore_mem>>)
    %scan3A = arith.constant 0 : i32
    %scan3A_56 = arith.constant 10 : i32
    %scan3A_57 = arith.addi %scan3A, %scan3A_56 : i32
    %scan3A_58 = arith.constant 1 : i32
    scf.for %scan3A_149 = %scan3A to %scan3A_57 step %scan3A_58  : i32 {
      %mul3A_150 = arith.constant 5 : i32
      %mul3A_151 = arith.muli %scan3A_149, %mul3A_150 : i32
      %add3A_152 = arith.constant 0 : i32
      %add3A_153 = arith.addi %add3A_152, %mul3A_151 : i32
      %add3A_154 = arith.constant 0 : i32
      %add3A_155 = arith.addi %add3A_153, %add3A_154 : i32
      %add3A_156 = arith.constant 5 : i32
      %add3A_157 = arith.addi %add3A_155, %add3A_156 : i32
      %sub3A = arith.constant 1 : i32
      %sub3A_158 = arith.subi %add3A_157, %sub3A : i32
      %lt3A = arith.constant 50 : i32
      %lt3A_159 = arith.cmpi slt, %sub3A_158, %lt3A : i32
      %convert_element_type3A = arith.extui %lt3A_159 : i1 to i32
      %cond3A = arith.constant 0 : i32
      %cond3A_160 = arith.cmpi ne, %convert_element_type3A, %cond3A : i32
      scf.if %cond3A_160 {
        %gt3A = arith.constant 0 : i32
        %gt3A_365 = arith.cmpi sgt, %add3A_155, %gt3A : i32
        %convert_element_type3A_366 = arith.extui %gt3A_365 : i1 to i32
        %cond3A_367 = arith.constant 0 : i32
        %cond3A_368 = arith.cmpi ne, %convert_element_type3A_366, %cond3A_367 : i32
        scf.if %cond3A_368 {
          %dma_wait3A_387 = arith.constant 4 : i32
          %dma_wait3A_388 = arith.constant 4 : i32
          %dma_wait3A_389 = arith.constant 0 : i32
          %dma_wait3A_390 = arith.constant 0 : i32
          %dma_wait3A_391 = tpu.memref_slice %arg6[%dma_wait3A_387, %dma_wait3A_389, %dma_wait3A_390] : memref<5x512x32xf32, #tpu.memory_space<vmem>> -> memref<1x512x32xf32, #tpu.memory_space<vmem>>
          %dma_wait3A_392 = tpu.memref_squeeze %dma_wait3A_391 : memref<1x512x32xf32, #tpu.memory_space<vmem>> -> memref<512x32xf32, #tpu.memory_space<vmem>>
          %dma_wait3A_393 = arith.constant 0 : i32
          %dma_wait3A_394 = arith.constant 0 : i32
          %dma_wait3A_395 = tpu.memref_slice %arg4[%dma_wait3A_393, %dma_wait3A_394] : memref<819200x32xf32, #tpu.memory_space<hbm>> -> memref<512x32xf32, #tpu.memory_space<hbm>>
          %dma_wait3A_396 = tpu.memref_slice %arg8[%dma_wait3A_388] : memref<5x!tpu.dma_semaphore, #tpu.memory_space<semaphore_mem>> -> memref<1x!tpu.dma_semaphore, #tpu.memory_space<semaphore_mem>>
          %dma_wait3A_397 = tpu.memref_squeeze %dma_wait3A_396 : memref<1x!tpu.dma_semaphore, #tpu.memory_space<semaphore_mem>> -> memref<!tpu.dma_semaphore, #tpu.memory_space<semaphore_mem>>
          %dma_wait3A_398 = arith.constant 0 : i32
          %dma_wait3A_399 = arith.constant 0 : i32
          %dma_wait3A_400 = tpu.memref_slice %arg4[%dma_wait3A_398, %dma_wait3A_399] : memref<819200x32xf32, #tpu.memory_space<hbm>> -> memref<512x32xf32, #tpu.memory_space<hbm>>
          %dma_wait3A_401 = arith.constant 0 : i32
          %dma_wait3A_402 = arith.constant 0 : i32
          %dma_wait3A_403 = tpu.memref_slice %arg6[%dma_wait3A_387, %dma_wait3A_401, %dma_wait3A_402] : memref<5x512x32xf32, #tpu.memory_space<vmem>> -> memref<1x512x32xf32, #tpu.memory_space<vmem>>
          %dma_wait3A_404 = tpu.memref_squeeze %dma_wait3A_403 : memref<1x512x32xf32, #tpu.memory_space<vmem>> -> memref<512x32xf32, #tpu.memory_space<vmem>>
          tpu.wait_dma2 semaphore(%dma_wait3A_397 : memref<!tpu.dma_semaphore, #tpu.memory_space<semaphore_mem>>) src(%dma_wait3A_404 : memref<512x32xf32, #tpu.memory_space<vmem>>) dst(%dma_wait3A_400 : memref<512x32xf32, #tpu.memory_space<hbm>>)
        } else {
        }
        %add3A_369 = arith.constant 5 : i32
        %add3A_370 = arith.addi %add3A_155, %add3A_369 : i32
        %sub3A_371 = arith.constant 1 : i32
        %sub3A_372 = arith.subi %add3A_370, %sub3A_371 : i32
        %mul3A_373 = arith.constant 512 : i32
        %mul3A_374 = arith.muli %sub3A_372, %mul3A_373 : i32
        %dma_start3A_375 = arith.constant 4 : i32
        %dma_start3A_376 = arith.constant 4 : i32
        %dma_start3A_377 = arith.constant 0 : i32
        %dma_start3A_378 = arith.constant 0 : i32
        %dma_start3A_379 = tpu.memref_slice %arg6[%dma_start3A_375, %dma_start3A_377, %dma_start3A_378] : memref<5x512x32xf32, #tpu.memory_space<vmem>> -> memref<1x512x32xf32, #tpu.memory_space<vmem>>
        %dma_start3A_380 = tpu.memref_squeeze %dma_start3A_379 : memref<1x512x32xf32, #tpu.memory_space<vmem>> -> memref<512x32xf32, #tpu.memory_space<vmem>>
        %dma_start3A_381 = tpu.memref_slice %arg5[%mul3A_374] : memref<25600xi32, #tpu.memory_space<vmem>> -> memref<512xi32, #tpu.memory_space<vmem>>
        %dma_start3A_382 = arith.constant 0 : i32
        %dma_start3A_383 = arith.constant 0 : i32
        %dma_start3A_384 = tpu.memref_slice %arg2[%dma_start3A_382, %dma_start3A_383] : memref<1000000x32xf32, #tpu.memory_space<hbm>> -> memref<1000000x32xf32, #tpu.memory_space<hbm>>
        %dma_start3A_385 = tpu.memref_slice %arg7[%dma_start3A_376] : memref<5x!tpu.dma_semaphore, #tpu.memory_space<semaphore_mem>> -> memref<1x!tpu.dma_semaphore, #tpu.memory_space<semaphore_mem>>
        %dma_start3A_386 = tpu.memref_squeeze %dma_start3A_385 : memref<1x!tpu.dma_semaphore, #tpu.memory_space<semaphore_mem>> -> memref<!tpu.dma_semaphore, #tpu.memory_space<semaphore_mem>>
        tpu.enqueue_indirect_dma source(%dma_start3A_384 : memref<1000000x32xf32, #tpu.memory_space<hbm>>) target(%dma_start3A_380 : memref<512x32xf32, #tpu.memory_space<vmem>>) offsets(%dma_start3A_381 : memref<512xi32, #tpu.memory_space<vmem>>) semaphore(%dma_start3A_386 : memref<!tpu.dma_semaphore, #tpu.memory_space<semaphore_mem>>)
      } else {
      }
      %dma_wait3A_161 = arith.constant 0 : i32
      %dma_wait3A_162 = arith.constant 0 : i32
      %dma_wait3A_163 = arith.constant 0 : i32
      %dma_wait3A_164 = arith.constant 0 : i32
      %dma_wait3A_165 = tpu.memref_slice %arg6[%dma_wait3A_161, %dma_wait3A_163, %dma_wait3A_164] : memref<5x512x32xf32, #tpu.memory_space<vmem>> -> memref<1x512x32xf32, #tpu.memory_space<vmem>>
      %dma_wait3A_166 = tpu.memref_squeeze %dma_wait3A_165 : memref<1x512x32xf32, #tpu.memory_space<vmem>> -> memref<512x32xf32, #tpu.memory_space<vmem>>
      %dma_wait3A_167 = arith.constant 0 : i32
      %dma_wait3A_168 = tpu.memref_slice %arg5[%dma_wait3A_167] : memref<25600xi32, #tpu.memory_space<vmem>> -> memref<512xi32, #tpu.memory_space<vmem>>
      %dma_wait3A_169 = arith.constant 0 : i32
      %dma_wait3A_170 = arith.constant 0 : i32
      %dma_wait3A_171 = tpu.memref_slice %arg2[%dma_wait3A_169, %dma_wait3A_170] : memref<1000000x32xf32, #tpu.memory_space<hbm>> -> memref<1000000x32xf32, #tpu.memory_space<hbm>>
      %dma_wait3A_172 = tpu.memref_slice %arg7[%dma_wait3A_162] : memref<5x!tpu.dma_semaphore, #tpu.memory_space<semaphore_mem>> -> memref<1x!tpu.dma_semaphore, #tpu.memory_space<semaphore_mem>>
      %dma_wait3A_173 = tpu.memref_squeeze %dma_wait3A_172 : memref<1x!tpu.dma_semaphore, #tpu.memory_space<semaphore_mem>> -> memref<!tpu.dma_semaphore, #tpu.memory_space<semaphore_mem>>
      tpu.wait_indirect_dma semaphore(%dma_wait3A_173 : memref<!tpu.dma_semaphore, #tpu.memory_space<semaphore_mem>>) src(%dma_wait3A_171 : memref<1000000x32xf32, #tpu.memory_space<hbm>>) dst(%dma_wait3A_166 : memref<512x32xf32, #tpu.memory_space<vmem>>)
      %mul3A_174 = arith.constant 512 : i32
      %mul3A_175 = arith.muli %add3A_155, %mul3A_174 : i32
      %add3A_176 = arith.addi %mul3A_4, %mul3A_175 : i32
      %dma_start3A_177 = arith.constant 0 : i32
      %dma_start3A_178 = arith.constant 0 : i32
      %dma_start3A_179 = arith.constant 0 : i32
      %dma_start3A_180 = arith.constant 0 : i32
      %dma_start3A_181 = tpu.memref_slice %arg6[%dma_start3A_177, %dma_start3A_179, %dma_start3A_180] : memref<5x512x32xf32, #tpu.memory_space<vmem>> -> memref<1x512x32xf32, #tpu.memory_space<vmem>>
      %dma_start3A_182 = tpu.memref_squeeze %dma_start3A_181 : memref<1x512x32xf32, #tpu.memory_space<vmem>> -> memref<512x32xf32, #tpu.memory_space<vmem>>
      %dma_start3A_183 = arith.constant 0 : i32
      %dma_start3A_184 = tpu.memref_slice %arg4[%add3A_176, %dma_start3A_183] : memref<819200x32xf32, #tpu.memory_space<hbm>> -> memref<512x32xf32, #tpu.memory_space<hbm>>
      %dma_start3A_185 = tpu.memref_slice %arg8[%dma_start3A_178] : memref<5x!tpu.dma_semaphore, #tpu.memory_space<semaphore_mem>> -> memref<1x!tpu.dma_semaphore, #tpu.memory_space<semaphore_mem>>
      %dma_start3A_186 = tpu.memref_squeeze %dma_start3A_185 : memref<1x!tpu.dma_semaphore, #tpu.memory_space<semaphore_mem>> -> memref<!tpu.dma_semaphore, #tpu.memory_space<semaphore_mem>>
      %dma_start3A_187 = arith.constant 0 : i32
      %dma_start3A_188 = tpu.memref_slice %arg4[%add3A_176, %dma_start3A_187] : memref<819200x32xf32, #tpu.memory_space<hbm>> -> memref<512x32xf32, #tpu.memory_space<hbm>>
      %dma_start3A_189 = arith.constant 0 : i32
      %dma_start3A_190 = arith.constant 0 : i32
      %dma_start3A_191 = tpu.memref_slice %arg6[%dma_start3A_177, %dma_start3A_189, %dma_start3A_190] : memref<5x512x32xf32, #tpu.memory_space<vmem>> -> memref<1x512x32xf32, #tpu.memory_space<vmem>>
      %dma_start3A_192 = tpu.memref_squeeze %dma_start3A_191 : memref<1x512x32xf32, #tpu.memory_space<vmem>> -> memref<512x32xf32, #tpu.memory_space<vmem>>
      tpu.enqueue_dma source(%dma_start3A_192 : memref<512x32xf32, #tpu.memory_space<vmem>>) target(%dma_start3A_188 : memref<512x32xf32, #tpu.memory_space<hbm>>) target_semaphore(%dma_start3A_186 : memref<!tpu.dma_semaphore, #tpu.memory_space<semaphore_mem>>)
      %add3A_193 = arith.constant 1 : i32
      %add3A_194 = arith.addi %add3A_153, %add3A_193 : i32
      %add3A_195 = arith.constant 5 : i32
      %add3A_196 = arith.addi %add3A_194, %add3A_195 : i32
      %sub3A_197 = arith.constant 1 : i32
      %sub3A_198 = arith.subi %add3A_196, %sub3A_197 : i32
      %lt3A_199 = arith.constant 50 : i32
      %lt3A_200 = arith.cmpi slt, %sub3A_198, %lt3A_199 : i32
      %convert_element_type3A_201 = arith.extui %lt3A_200 : i1 to i32
      %cond3A_202 = arith.constant 0 : i32
      %cond3A_203 = arith.cmpi ne, %convert_element_type3A_201, %cond3A_202 : i32
      scf.if %cond3A_203 {
        %gt3A = arith.constant 0 : i32
        %gt3A_365 = arith.cmpi sgt, %add3A_194, %gt3A : i32
        %convert_element_type3A_366 = arith.extui %gt3A_365 : i1 to i32
        %cond3A_367 = arith.constant 0 : i32
        %cond3A_368 = arith.cmpi ne, %convert_element_type3A_366, %cond3A_367 : i32
        scf.if %cond3A_368 {
          %dma_wait3A_387 = arith.constant 0 : i32
          %dma_wait3A_388 = arith.constant 0 : i32
          %dma_wait3A_389 = arith.constant 0 : i32
          %dma_wait3A_390 = arith.constant 0 : i32
          %dma_wait3A_391 = tpu.memref_slice %arg6[%dma_wait3A_387, %dma_wait3A_389, %dma_wait3A_390] : memref<5x512x32xf32, #tpu.memory_space<vmem>> -> memref<1x512x32xf32, #tpu.memory_space<vmem>>
          %dma_wait3A_392 = tpu.memref_squeeze %dma_wait3A_391 : memref<1x512x32xf32, #tpu.memory_space<vmem>> -> memref<512x32xf32, #tpu.memory_space<vmem>>
          %dma_wait3A_393 = arith.constant 0 : i32
          %dma_wait3A_394 = arith.constant 0 : i32
          %dma_wait3A_395 = tpu.memref_slice %arg4[%dma_wait3A_393, %dma_wait3A_394] : memref<819200x32xf32, #tpu.memory_space<hbm>> -> memref<512x32xf32, #tpu.memory_space<hbm>>
          %dma_wait3A_396 = tpu.memref_slice %arg8[%dma_wait3A_388] : memref<5x!tpu.dma_semaphore, #tpu.memory_space<semaphore_mem>> -> memref<1x!tpu.dma_semaphore, #tpu.memory_space<semaphore_mem>>
          %dma_wait3A_397 = tpu.memref_squeeze %dma_wait3A_396 : memref<1x!tpu.dma_semaphore, #tpu.memory_space<semaphore_mem>> -> memref<!tpu.dma_semaphore, #tpu.memory_space<semaphore_mem>>
          %dma_wait3A_398 = arith.constant 0 : i32
          %dma_wait3A_399 = arith.constant 0 : i32
          %dma_wait3A_400 = tpu.memref_slice %arg4[%dma_wait3A_398, %dma_wait3A_399] : memref<819200x32xf32, #tpu.memory_space<hbm>> -> memref<512x32xf32, #tpu.memory_space<hbm>>
          %dma_wait3A_401 = arith.constant 0 : i32
          %dma_wait3A_402 = arith.constant 0 : i32
          %dma_wait3A_403 = tpu.memref_slice %arg6[%dma_wait3A_387, %dma_wait3A_401, %dma_wait3A_402] : memref<5x512x32xf32, #tpu.memory_space<vmem>> -> memref<1x512x32xf32, #tpu.memory_space<vmem>>
          %dma_wait3A_404 = tpu.memref_squeeze %dma_wait3A_403 : memref<1x512x32xf32, #tpu.memory_space<vmem>> -> memref<512x32xf32, #tpu.memory_space<vmem>>
          tpu.wait_dma2 semaphore(%dma_wait3A_397 : memref<!tpu.dma_semaphore, #tpu.memory_space<semaphore_mem>>) src(%dma_wait3A_404 : memref<512x32xf32, #tpu.memory_space<vmem>>) dst(%dma_wait3A_400 : memref<512x32xf32, #tpu.memory_space<hbm>>)
        } else {
        }
        %add3A_369 = arith.constant 5 : i32
        %add3A_370 = arith.addi %add3A_194, %add3A_369 : i32
        %sub3A_371 = arith.constant 1 : i32
        %sub3A_372 = arith.subi %add3A_370, %sub3A_371 : i32
        %mul3A_373 = arith.constant 512 : i32
        %mul3A_374 = arith.muli %sub3A_372, %mul3A_373 : i32
        %dma_start3A_375 = arith.constant 0 : i32
        %dma_start3A_376 = arith.constant 0 : i32
        %dma_start3A_377 = arith.constant 0 : i32
        %dma_start3A_378 = arith.constant 0 : i32
        %dma_start3A_379 = tpu.memref_slice %arg6[%dma_start3A_375, %dma_start3A_377, %dma_start3A_378] : memref<5x512x32xf32, #tpu.memory_space<vmem>> -> memref<1x512x32xf32, #tpu.memory_space<vmem>>
        %dma_start3A_380 = tpu.memref_squeeze %dma_start3A_379 : memref<1x512x32xf32, #tpu.memory_space<vmem>> -> memref<512x32xf32, #tpu.memory_space<vmem>>
        %dma_start3A_381 = tpu.memref_slice %arg5[%mul3A_374] : memref<25600xi32, #tpu.memory_space<vmem>> -> memref<512xi32, #tpu.memory_space<vmem>>
        %dma_start3A_382 = arith.constant 0 : i32
        %dma_start3A_383 = arith.constant 0 : i32
        %dma_start3A_384 = tpu.memref_slice %arg2[%dma_start3A_382, %dma_start3A_383] : memref<1000000x32xf32, #tpu.memory_space<hbm>> -> memref<1000000x32xf32, #tpu.memory_space<hbm>>
        %dma_start3A_385 = tpu.memref_slice %arg7[%dma_start3A_376] : memref<5x!tpu.dma_semaphore, #tpu.memory_space<semaphore_mem>> -> memref<1x!tpu.dma_semaphore, #tpu.memory_space<semaphore_mem>>
        %dma_start3A_386 = tpu.memref_squeeze %dma_start3A_385 : memref<1x!tpu.dma_semaphore, #tpu.memory_space<semaphore_mem>> -> memref<!tpu.dma_semaphore, #tpu.memory_space<semaphore_mem>>
        tpu.enqueue_indirect_dma source(%dma_start3A_384 : memref<1000000x32xf32, #tpu.memory_space<hbm>>) target(%dma_start3A_380 : memref<512x32xf32, #tpu.memory_space<vmem>>) offsets(%dma_start3A_381 : memref<512xi32, #tpu.memory_space<vmem>>) semaphore(%dma_start3A_386 : memref<!tpu.dma_semaphore, #tpu.memory_space<semaphore_mem>>)
      } else {
      }
      %dma_wait3A_204 = arith.constant 1 : i32
      %dma_wait3A_205 = arith.constant 1 : i32
      %dma_wait3A_206 = arith.constant 0 : i32
      %dma_wait3A_207 = arith.constant 0 : i32
      %dma_wait3A_208 = tpu.memref_slice %arg6[%dma_wait3A_204, %dma_wait3A_206, %dma_wait3A_207] : memref<5x512x32xf32, #tpu.memory_space<vmem>> -> memref<1x512x32xf32, #tpu.memory_space<vmem>>
      %dma_wait3A_209 = tpu.memref_squeeze %dma_wait3A_208 : memref<1x512x32xf32, #tpu.memory_space<vmem>> -> memref<512x32xf32, #tpu.memory_space<vmem>>
      %dma_wait3A_210 = arith.constant 0 : i32
      %dma_wait3A_211 = tpu.memref_slice %arg5[%dma_wait3A_210] : memref<25600xi32, #tpu.memory_space<vmem>> -> memref<512xi32, #tpu.memory_space<vmem>>
      %dma_wait3A_212 = arith.constant 0 : i32
      %dma_wait3A_213 = arith.constant 0 : i32
      %dma_wait3A_214 = tpu.memref_slice %arg2[%dma_wait3A_212, %dma_wait3A_213] : memref<1000000x32xf32, #tpu.memory_space<hbm>> -> memref<1000000x32xf32, #tpu.memory_space<hbm>>
      %dma_wait3A_215 = tpu.memref_slice %arg7[%dma_wait3A_205] : memref<5x!tpu.dma_semaphore, #tpu.memory_space<semaphore_mem>> -> memref<1x!tpu.dma_semaphore, #tpu.memory_space<semaphore_mem>>
      %dma_wait3A_216 = tpu.memref_squeeze %dma_wait3A_215 : memref<1x!tpu.dma_semaphore, #tpu.memory_space<semaphore_mem>> -> memref<!tpu.dma_semaphore, #tpu.memory_space<semaphore_mem>>
      tpu.wait_indirect_dma semaphore(%dma_wait3A_216 : memref<!tpu.dma_semaphore, #tpu.memory_space<semaphore_mem>>) src(%dma_wait3A_214 : memref<1000000x32xf32, #tpu.memory_space<hbm>>) dst(%dma_wait3A_209 : memref<512x32xf32, #tpu.memory_space<vmem>>)
      %mul3A_217 = arith.constant 512 : i32
      %mul3A_218 = arith.muli %add3A_194, %mul3A_217 : i32
      %add3A_219 = arith.addi %mul3A_4, %mul3A_218 : i32
      %dma_start3A_220 = arith.constant 1 : i32
      %dma_start3A_221 = arith.constant 1 : i32
      %dma_start3A_222 = arith.constant 0 : i32
      %dma_start3A_223 = arith.constant 0 : i32
      %dma_start3A_224 = tpu.memref_slice %arg6[%dma_start3A_220, %dma_start3A_222, %dma_start3A_223] : memref<5x512x32xf32, #tpu.memory_space<vmem>> -> memref<1x512x32xf32, #tpu.memory_space<vmem>>
      %dma_start3A_225 = tpu.memref_squeeze %dma_start3A_224 : memref<1x512x32xf32, #tpu.memory_space<vmem>> -> memref<512x32xf32, #tpu.memory_space<vmem>>
      %dma_start3A_226 = arith.constant 0 : i32
      %dma_start3A_227 = tpu.memref_slice %arg4[%add3A_219, %dma_start3A_226] : memref<819200x32xf32, #tpu.memory_space<hbm>> -> memref<512x32xf32, #tpu.memory_space<hbm>>
      %dma_start3A_228 = tpu.memref_slice %arg8[%dma_start3A_221] : memref<5x!tpu.dma_semaphore, #tpu.memory_space<semaphore_mem>> -> memref<1x!tpu.dma_semaphore, #tpu.memory_space<semaphore_mem>>
      %dma_start3A_229 = tpu.memref_squeeze %dma_start3A_228 : memref<1x!tpu.dma_semaphore, #tpu.memory_space<semaphore_mem>> -> memref<!tpu.dma_semaphore, #tpu.memory_space<semaphore_mem>>
      %dma_start3A_230 = arith.constant 0 : i32
      %dma_start3A_231 = tpu.memref_slice %arg4[%add3A_219, %dma_start3A_230] : memref<819200x32xf32, #tpu.memory_space<hbm>> -> memref<512x32xf32, #tpu.memory_space<hbm>>
      %dma_start3A_232 = arith.constant 0 : i32
      %dma_start3A_233 = arith.constant 0 : i32
      %dma_start3A_234 = tpu.memref_slice %arg6[%dma_start3A_220, %dma_start3A_232, %dma_start3A_233] : memref<5x512x32xf32, #tpu.memory_space<vmem>> -> memref<1x512x32xf32, #tpu.memory_space<vmem>>
      %dma_start3A_235 = tpu.memref_squeeze %dma_start3A_234 : memref<1x512x32xf32, #tpu.memory_space<vmem>> -> memref<512x32xf32, #tpu.memory_space<vmem>>
      tpu.enqueue_dma source(%dma_start3A_235 : memref<512x32xf32, #tpu.memory_space<vmem>>) target(%dma_start3A_231 : memref<512x32xf32, #tpu.memory_space<hbm>>) target_semaphore(%dma_start3A_229 : memref<!tpu.dma_semaphore, #tpu.memory_space<semaphore_mem>>)
      %add3A_236 = arith.constant 2 : i32
      %add3A_237 = arith.addi %add3A_153, %add3A_236 : i32
      %add3A_238 = arith.constant 5 : i32
      %add3A_239 = arith.addi %add3A_237, %add3A_238 : i32
      %sub3A_240 = arith.constant 1 : i32
      %sub3A_241 = arith.subi %add3A_239, %sub3A_240 : i32
      %lt3A_242 = arith.constant 50 : i32
      %lt3A_243 = arith.cmpi slt, %sub3A_241, %lt3A_242 : i32
      %convert_element_type3A_244 = arith.extui %lt3A_243 : i1 to i32
      %cond3A_245 = arith.constant 0 : i32
      %cond3A_246 = arith.cmpi ne, %convert_element_type3A_244, %cond3A_245 : i32
      scf.if %cond3A_246 {
        %gt3A = arith.constant 0 : i32
        %gt3A_365 = arith.cmpi sgt, %add3A_237, %gt3A : i32
        %convert_element_type3A_366 = arith.extui %gt3A_365 : i1 to i32
        %cond3A_367 = arith.constant 0 : i32
        %cond3A_368 = arith.cmpi ne, %convert_element_type3A_366, %cond3A_367 : i32
        scf.if %cond3A_368 {
          %dma_wait3A_387 = arith.constant 1 : i32
          %dma_wait3A_388 = arith.constant 1 : i32
          %dma_wait3A_389 = arith.constant 0 : i32
          %dma_wait3A_390 = arith.constant 0 : i32
          %dma_wait3A_391 = tpu.memref_slice %arg6[%dma_wait3A_387, %dma_wait3A_389, %dma_wait3A_390] : memref<5x512x32xf32, #tpu.memory_space<vmem>> -> memref<1x512x32xf32, #tpu.memory_space<vmem>>
          %dma_wait3A_392 = tpu.memref_squeeze %dma_wait3A_391 : memref<1x512x32xf32, #tpu.memory_space<vmem>> -> memref<512x32xf32, #tpu.memory_space<vmem>>
          %dma_wait3A_393 = arith.constant 0 : i32
          %dma_wait3A_394 = arith.constant 0 : i32
          %dma_wait3A_395 = tpu.memref_slice %arg4[%dma_wait3A_393, %dma_wait3A_394] : memref<819200x32xf32, #tpu.memory_space<hbm>> -> memref<512x32xf32, #tpu.memory_space<hbm>>
          %dma_wait3A_396 = tpu.memref_slice %arg8[%dma_wait3A_388] : memref<5x!tpu.dma_semaphore, #tpu.memory_space<semaphore_mem>> -> memref<1x!tpu.dma_semaphore, #tpu.memory_space<semaphore_mem>>
          %dma_wait3A_397 = tpu.memref_squeeze %dma_wait3A_396 : memref<1x!tpu.dma_semaphore, #tpu.memory_space<semaphore_mem>> -> memref<!tpu.dma_semaphore, #tpu.memory_space<semaphore_mem>>
          %dma_wait3A_398 = arith.constant 0 : i32
          %dma_wait3A_399 = arith.constant 0 : i32
          %dma_wait3A_400 = tpu.memref_slice %arg4[%dma_wait3A_398, %dma_wait3A_399] : memref<819200x32xf32, #tpu.memory_space<hbm>> -> memref<512x32xf32, #tpu.memory_space<hbm>>
          %dma_wait3A_401 = arith.constant 0 : i32
          %dma_wait3A_402 = arith.constant 0 : i32
          %dma_wait3A_403 = tpu.memref_slice %arg6[%dma_wait3A_387, %dma_wait3A_401, %dma_wait3A_402] : memref<5x512x32xf32, #tpu.memory_space<vmem>> -> memref<1x512x32xf32, #tpu.memory_space<vmem>>
          %dma_wait3A_404 = tpu.memref_squeeze %dma_wait3A_403 : memref<1x512x32xf32, #tpu.memory_space<vmem>> -> memref<512x32xf32, #tpu.memory_space<vmem>>
          tpu.wait_dma2 semaphore(%dma_wait3A_397 : memref<!tpu.dma_semaphore, #tpu.memory_space<semaphore_mem>>) src(%dma_wait3A_404 : memref<512x32xf32, #tpu.memory_space<vmem>>) dst(%dma_wait3A_400 : memref<512x32xf32, #tpu.memory_space<hbm>>)
        } else {
        }
        %add3A_369 = arith.constant 5 : i32
        %add3A_370 = arith.addi %add3A_237, %add3A_369 : i32
        %sub3A_371 = arith.constant 1 : i32
        %sub3A_372 = arith.subi %add3A_370, %sub3A_371 : i32
        %mul3A_373 = arith.constant 512 : i32
        %mul3A_374 = arith.muli %sub3A_372, %mul3A_373 : i32
        %dma_start3A_375 = arith.constant 1 : i32
        %dma_start3A_376 = arith.constant 1 : i32
        %dma_start3A_377 = arith.constant 0 : i32
        %dma_start3A_378 = arith.constant 0 : i32
        %dma_start3A_379 = tpu.memref_slice %arg6[%dma_start3A_375, %dma_start3A_377, %dma_start3A_378] : memref<5x512x32xf32, #tpu.memory_space<vmem>> -> memref<1x512x32xf32, #tpu.memory_space<vmem>>
        %dma_start3A_380 = tpu.memref_squeeze %dma_start3A_379 : memref<1x512x32xf32, #tpu.memory_space<vmem>> -> memref<512x32xf32, #tpu.memory_space<vmem>>
        %dma_start3A_381 = tpu.memref_slice %arg5[%mul3A_374] : memref<25600xi32, #tpu.memory_space<vmem>> -> memref<512xi32, #tpu.memory_space<vmem>>
        %dma_start3A_382 = arith.constant 0 : i32
        %dma_start3A_383 = arith.constant 0 : i32
        %dma_start3A_384 = tpu.memref_slice %arg2[%dma_start3A_382, %dma_start3A_383] : memref<1000000x32xf32, #tpu.memory_space<hbm>> -> memref<1000000x32xf32, #tpu.memory_space<hbm>>
        %dma_start3A_385 = tpu.memref_slice %arg7[%dma_start3A_376] : memref<5x!tpu.dma_semaphore, #tpu.memory_space<semaphore_mem>> -> memref<1x!tpu.dma_semaphore, #tpu.memory_space<semaphore_mem>>
        %dma_start3A_386 = tpu.memref_squeeze %dma_start3A_385 : memref<1x!tpu.dma_semaphore, #tpu.memory_space<semaphore_mem>> -> memref<!tpu.dma_semaphore, #tpu.memory_space<semaphore_mem>>
        tpu.enqueue_indirect_dma source(%dma_start3A_384 : memref<1000000x32xf32, #tpu.memory_space<hbm>>) target(%dma_start3A_380 : memref<512x32xf32, #tpu.memory_space<vmem>>) offsets(%dma_start3A_381 : memref<512xi32, #tpu.memory_space<vmem>>) semaphore(%dma_start3A_386 : memref<!tpu.dma_semaphore, #tpu.memory_space<semaphore_mem>>)
      } else {
      }
      %dma_wait3A_247 = arith.constant 2 : i32
      %dma_wait3A_248 = arith.constant 2 : i32
      %dma_wait3A_249 = arith.constant 0 : i32
      %dma_wait3A_250 = arith.constant 0 : i32
      %dma_wait3A_251 = tpu.memref_slice %arg6[%dma_wait3A_247, %dma_wait3A_249, %dma_wait3A_250] : memref<5x512x32xf32, #tpu.memory_space<vmem>> -> memref<1x512x32xf32, #tpu.memory_space<vmem>>
      %dma_wait3A_252 = tpu.memref_squeeze %dma_wait3A_251 : memref<1x512x32xf32, #tpu.memory_space<vmem>> -> memref<512x32xf32, #tpu.memory_space<vmem>>
      %dma_wait3A_253 = arith.constant 0 : i32
      %dma_wait3A_254 = tpu.memref_slice %arg5[%dma_wait3A_253] : memref<25600xi32, #tpu.memory_space<vmem>> -> memref<512xi32, #tpu.memory_space<vmem>>
      %dma_wait3A_255 = arith.constant 0 : i32
      %dma_wait3A_256 = arith.constant 0 : i32
      %dma_wait3A_257 = tpu.memref_slice %arg2[%dma_wait3A_255, %dma_wait3A_256] : memref<1000000x32xf32, #tpu.memory_space<hbm>> -> memref<1000000x32xf32, #tpu.memory_space<hbm>>
      %dma_wait3A_258 = tpu.memref_slice %arg7[%dma_wait3A_248] : memref<5x!tpu.dma_semaphore, #tpu.memory_space<semaphore_mem>> -> memref<1x!tpu.dma_semaphore, #tpu.memory_space<semaphore_mem>>
      %dma_wait3A_259 = tpu.memref_squeeze %dma_wait3A_258 : memref<1x!tpu.dma_semaphore, #tpu.memory_space<semaphore_mem>> -> memref<!tpu.dma_semaphore, #tpu.memory_space<semaphore_mem>>
      tpu.wait_indirect_dma semaphore(%dma_wait3A_259 : memref<!tpu.dma_semaphore, #tpu.memory_space<semaphore_mem>>) src(%dma_wait3A_257 : memref<1000000x32xf32, #tpu.memory_space<hbm>>) dst(%dma_wait3A_252 : memref<512x32xf32, #tpu.memory_space<vmem>>)
      %mul3A_260 = arith.constant 512 : i32
      %mul3A_261 = arith.muli %add3A_237, %mul3A_260 : i32
      %add3A_262 = arith.addi %mul3A_4, %mul3A_261 : i32
      %dma_start3A_263 = arith.constant 2 : i32
      %dma_start3A_264 = arith.constant 2 : i32
      %dma_start3A_265 = arith.constant 0 : i32
      %dma_start3A_266 = arith.constant 0 : i32
      %dma_start3A_267 = tpu.memref_slice %arg6[%dma_start3A_263, %dma_start3A_265, %dma_start3A_266] : memref<5x512x32xf32, #tpu.memory_space<vmem>> -> memref<1x512x32xf32, #tpu.memory_space<vmem>>
      %dma_start3A_268 = tpu.memref_squeeze %dma_start3A_267 : memref<1x512x32xf32, #tpu.memory_space<vmem>> -> memref<512x32xf32, #tpu.memory_space<vmem>>
      %dma_start3A_269 = arith.constant 0 : i32
      %dma_start3A_270 = tpu.memref_slice %arg4[%add3A_262, %dma_start3A_269] : memref<819200x32xf32, #tpu.memory_space<hbm>> -> memref<512x32xf32, #tpu.memory_space<hbm>>
      %dma_start3A_271 = tpu.memref_slice %arg8[%dma_start3A_264] : memref<5x!tpu.dma_semaphore, #tpu.memory_space<semaphore_mem>> -> memref<1x!tpu.dma_semaphore, #tpu.memory_space<semaphore_mem>>
      %dma_start3A_272 = tpu.memref_squeeze %dma_start3A_271 : memref<1x!tpu.dma_semaphore, #tpu.memory_space<semaphore_mem>> -> memref<!tpu.dma_semaphore, #tpu.memory_space<semaphore_mem>>
      %dma_start3A_273 = arith.constant 0 : i32
      %dma_start3A_274 = tpu.memref_slice %arg4[%add3A_262, %dma_start3A_273] : memref<819200x32xf32, #tpu.memory_space<hbm>> -> memref<512x32xf32, #tpu.memory_space<hbm>>
      %dma_start3A_275 = arith.constant 0 : i32
      %dma_start3A_276 = arith.constant 0 : i32
      %dma_start3A_277 = tpu.memref_slice %arg6[%dma_start3A_263, %dma_start3A_275, %dma_start3A_276] : memref<5x512x32xf32, #tpu.memory_space<vmem>> -> memref<1x512x32xf32, #tpu.memory_space<vmem>>
      %dma_start3A_278 = tpu.memref_squeeze %dma_start3A_277 : memref<1x512x32xf32, #tpu.memory_space<vmem>> -> memref<512x32xf32, #tpu.memory_space<vmem>>
      tpu.enqueue_dma source(%dma_start3A_278 : memref<512x32xf32, #tpu.memory_space<vmem>>) target(%dma_start3A_274 : memref<512x32xf32, #tpu.memory_space<hbm>>) target_semaphore(%dma_start3A_272 : memref<!tpu.dma_semaphore, #tpu.memory_space<semaphore_mem>>)
      %add3A_279 = arith.constant 3 : i32
      %add3A_280 = arith.addi %add3A_153, %add3A_279 : i32
      %add3A_281 = arith.constant 5 : i32
      %add3A_282 = arith.addi %add3A_280, %add3A_281 : i32
      %sub3A_283 = arith.constant 1 : i32
      %sub3A_284 = arith.subi %add3A_282, %sub3A_283 : i32
      %lt3A_285 = arith.constant 50 : i32
      %lt3A_286 = arith.cmpi slt, %sub3A_284, %lt3A_285 : i32
      %convert_element_type3A_287 = arith.extui %lt3A_286 : i1 to i32
      %cond3A_288 = arith.constant 0 : i32
      %cond3A_289 = arith.cmpi ne, %convert_element_type3A_287, %cond3A_288 : i32
      scf.if %cond3A_289 {
        %gt3A = arith.constant 0 : i32
        %gt3A_365 = arith.cmpi sgt, %add3A_280, %gt3A : i32
        %convert_element_type3A_366 = arith.extui %gt3A_365 : i1 to i32
        %cond3A_367 = arith.constant 0 : i32
        %cond3A_368 = arith.cmpi ne, %convert_element_type3A_366, %cond3A_367 : i32
        scf.if %cond3A_368 {
          %dma_wait3A_387 = arith.constant 2 : i32
          %dma_wait3A_388 = arith.constant 2 : i32
          %dma_wait3A_389 = arith.constant 0 : i32
          %dma_wait3A_390 = arith.constant 0 : i32
          %dma_wait3A_391 = tpu.memref_slice %arg6[%dma_wait3A_387, %dma_wait3A_389, %dma_wait3A_390] : memref<5x512x32xf32, #tpu.memory_space<vmem>> -> memref<1x512x32xf32, #tpu.memory_space<vmem>>
          %dma_wait3A_392 = tpu.memref_squeeze %dma_wait3A_391 : memref<1x512x32xf32, #tpu.memory_space<vmem>> -> memref<512x32xf32, #tpu.memory_space<vmem>>
          %dma_wait3A_393 = arith.constant 0 : i32
          %dma_wait3A_394 = arith.constant 0 : i32
          %dma_wait3A_395 = tpu.memref_slice %arg4[%dma_wait3A_393, %dma_wait3A_394] : memref<819200x32xf32, #tpu.memory_space<hbm>> -> memref<512x32xf32, #tpu.memory_space<hbm>>
          %dma_wait3A_396 = tpu.memref_slice %arg8[%dma_wait3A_388] : memref<5x!tpu.dma_semaphore, #tpu.memory_space<semaphore_mem>> -> memref<1x!tpu.dma_semaphore, #tpu.memory_space<semaphore_mem>>
          %dma_wait3A_397 = tpu.memref_squeeze %dma_wait3A_396 : memref<1x!tpu.dma_semaphore, #tpu.memory_space<semaphore_mem>> -> memref<!tpu.dma_semaphore, #tpu.memory_space<semaphore_mem>>
          %dma_wait3A_398 = arith.constant 0 : i32
          %dma_wait3A_399 = arith.constant 0 : i32
          %dma_wait3A_400 = tpu.memref_slice %arg4[%dma_wait3A_398, %dma_wait3A_399] : memref<819200x32xf32, #tpu.memory_space<hbm>> -> memref<512x32xf32, #tpu.memory_space<hbm>>
          %dma_wait3A_401 = arith.constant 0 : i32
          %dma_wait3A_402 = arith.constant 0 : i32
          %dma_wait3A_403 = tpu.memref_slice %arg6[%dma_wait3A_387, %dma_wait3A_401, %dma_wait3A_402] : memref<5x512x32xf32, #tpu.memory_space<vmem>> -> memref<1x512x32xf32, #tpu.memory_space<vmem>>
          %dma_wait3A_404 = tpu.memref_squeeze %dma_wait3A_403 : memref<1x512x32xf32, #tpu.memory_space<vmem>> -> memref<512x32xf32, #tpu.memory_space<vmem>>
          tpu.wait_dma2 semaphore(%dma_wait3A_397 : memref<!tpu.dma_semaphore, #tpu.memory_space<semaphore_mem>>) src(%dma_wait3A_404 : memref<512x32xf32, #tpu.memory_space<vmem>>) dst(%dma_wait3A_400 : memref<512x32xf32, #tpu.memory_space<hbm>>)
        } else {
        }
        %add3A_369 = arith.constant 5 : i32
        %add3A_370 = arith.addi %add3A_280, %add3A_369 : i32
        %sub3A_371 = arith.constant 1 : i32
        %sub3A_372 = arith.subi %add3A_370, %sub3A_371 : i32
        %mul3A_373 = arith.constant 512 : i32
        %mul3A_374 = arith.muli %sub3A_372, %mul3A_373 : i32
        %dma_start3A_375 = arith.constant 2 : i32
        %dma_start3A_376 = arith.constant 2 : i32
        %dma_start3A_377 = arith.constant 0 : i32
        %dma_start3A_378 = arith.constant 0 : i32
        %dma_start3A_379 = tpu.memref_slice %arg6[%dma_start3A_375, %dma_start3A_377, %dma_start3A_378] : memref<5x512x32xf32, #tpu.memory_space<vmem>> -> memref<1x512x32xf32, #tpu.memory_space<vmem>>
        %dma_start3A_380 = tpu.memref_squeeze %dma_start3A_379 : memref<1x512x32xf32, #tpu.memory_space<vmem>> -> memref<512x32xf32, #tpu.memory_space<vmem>>
        %dma_start3A_381 = tpu.memref_slice %arg5[%mul3A_374] : memref<25600xi32, #tpu.memory_space<vmem>> -> memref<512xi32, #tpu.memory_space<vmem>>
        %dma_start3A_382 = arith.constant 0 : i32
        %dma_start3A_383 = arith.constant 0 : i32
        %dma_start3A_384 = tpu.memref_slice %arg2[%dma_start3A_382, %dma_start3A_383] : memref<1000000x32xf32, #tpu.memory_space<hbm>> -> memref<1000000x32xf32, #tpu.memory_space<hbm>>
        %dma_start3A_385 = tpu.memref_slice %arg7[%dma_start3A_376] : memref<5x!tpu.dma_semaphore, #tpu.memory_space<semaphore_mem>> -> memref<1x!tpu.dma_semaphore, #tpu.memory_space<semaphore_mem>>
        %dma_start3A_386 = tpu.memref_squeeze %dma_start3A_385 : memref<1x!tpu.dma_semaphore, #tpu.memory_space<semaphore_mem>> -> memref<!tpu.dma_semaphore, #tpu.memory_space<semaphore_mem>>
        tpu.enqueue_indirect_dma source(%dma_start3A_384 : memref<1000000x32xf32, #tpu.memory_space<hbm>>) target(%dma_start3A_380 : memref<512x32xf32, #tpu.memory_space<vmem>>) offsets(%dma_start3A_381 : memref<512xi32, #tpu.memory_space<vmem>>) semaphore(%dma_start3A_386 : memref<!tpu.dma_semaphore, #tpu.memory_space<semaphore_mem>>)
      } else {
      }
      %dma_wait3A_290 = arith.constant 3 : i32
      %dma_wait3A_291 = arith.constant 3 : i32
      %dma_wait3A_292 = arith.constant 0 : i32
      %dma_wait3A_293 = arith.constant 0 : i32
      %dma_wait3A_294 = tpu.memref_slice %arg6[%dma_wait3A_290, %dma_wait3A_292, %dma_wait3A_293] : memref<5x512x32xf32, #tpu.memory_space<vmem>> -> memref<1x512x32xf32, #tpu.memory_space<vmem>>
      %dma_wait3A_295 = tpu.memref_squeeze %dma_wait3A_294 : memref<1x512x32xf32, #tpu.memory_space<vmem>> -> memref<512x32xf32, #tpu.memory_space<vmem>>
      %dma_wait3A_296 = arith.constant 0 : i32
      %dma_wait3A_297 = tpu.memref_slice %arg5[%dma_wait3A_296] : memref<25600xi32, #tpu.memory_space<vmem>> -> memref<512xi32, #tpu.memory_space<vmem>>
      %dma_wait3A_298 = arith.constant 0 : i32
      %dma_wait3A_299 = arith.constant 0 : i32
      %dma_wait3A_300 = tpu.memref_slice %arg2[%dma_wait3A_298, %dma_wait3A_299] : memref<1000000x32xf32, #tpu.memory_space<hbm>> -> memref<1000000x32xf32, #tpu.memory_space<hbm>>
      %dma_wait3A_301 = tpu.memref_slice %arg7[%dma_wait3A_291] : memref<5x!tpu.dma_semaphore, #tpu.memory_space<semaphore_mem>> -> memref<1x!tpu.dma_semaphore, #tpu.memory_space<semaphore_mem>>
      %dma_wait3A_302 = tpu.memref_squeeze %dma_wait3A_301 : memref<1x!tpu.dma_semaphore, #tpu.memory_space<semaphore_mem>> -> memref<!tpu.dma_semaphore, #tpu.memory_space<semaphore_mem>>
      tpu.wait_indirect_dma semaphore(%dma_wait3A_302 : memref<!tpu.dma_semaphore, #tpu.memory_space<semaphore_mem>>) src(%dma_wait3A_300 : memref<1000000x32xf32, #tpu.memory_space<hbm>>) dst(%dma_wait3A_295 : memref<512x32xf32, #tpu.memory_space<vmem>>)
      %mul3A_303 = arith.constant 512 : i32
      %mul3A_304 = arith.muli %add3A_280, %mul3A_303 : i32
      %add3A_305 = arith.addi %mul3A_4, %mul3A_304 : i32
      %dma_start3A_306 = arith.constant 3 : i32
      %dma_start3A_307 = arith.constant 3 : i32
      %dma_start3A_308 = arith.constant 0 : i32
      %dma_start3A_309 = arith.constant 0 : i32
      %dma_start3A_310 = tpu.memref_slice %arg6[%dma_start3A_306, %dma_start3A_308, %dma_start3A_309] : memref<5x512x32xf32, #tpu.memory_space<vmem>> -> memref<1x512x32xf32, #tpu.memory_space<vmem>>
      %dma_start3A_311 = tpu.memref_squeeze %dma_start3A_310 : memref<1x512x32xf32, #tpu.memory_space<vmem>> -> memref<512x32xf32, #tpu.memory_space<vmem>>
      %dma_start3A_312 = arith.constant 0 : i32
      %dma_start3A_313 = tpu.memref_slice %arg4[%add3A_305, %dma_start3A_312] : memref<819200x32xf32, #tpu.memory_space<hbm>> -> memref<512x32xf32, #tpu.memory_space<hbm>>
      %dma_start3A_314 = tpu.memref_slice %arg8[%dma_start3A_307] : memref<5x!tpu.dma_semaphore, #tpu.memory_space<semaphore_mem>> -> memref<1x!tpu.dma_semaphore, #tpu.memory_space<semaphore_mem>>
      %dma_start3A_315 = tpu.memref_squeeze %dma_start3A_314 : memref<1x!tpu.dma_semaphore, #tpu.memory_space<semaphore_mem>> -> memref<!tpu.dma_semaphore, #tpu.memory_space<semaphore_mem>>
      %dma_start3A_316 = arith.constant 0 : i32
      %dma_start3A_317 = tpu.memref_slice %arg4[%add3A_305, %dma_start3A_316] : memref<819200x32xf32, #tpu.memory_space<hbm>> -> memref<512x32xf32, #tpu.memory_space<hbm>>
      %dma_start3A_318 = arith.constant 0 : i32
      %dma_start3A_319 = arith.constant 0 : i32
      %dma_start3A_320 = tpu.memref_slice %arg6[%dma_start3A_306, %dma_start3A_318, %dma_start3A_319] : memref<5x512x32xf32, #tpu.memory_space<vmem>> -> memref<1x512x32xf32, #tpu.memory_space<vmem>>
      %dma_start3A_321 = tpu.memref_squeeze %dma_start3A_320 : memref<1x512x32xf32, #tpu.memory_space<vmem>> -> memref<512x32xf32, #tpu.memory_space<vmem>>
      tpu.enqueue_dma source(%dma_start3A_321 : memref<512x32xf32, #tpu.memory_space<vmem>>) target(%dma_start3A_317 : memref<512x32xf32, #tpu.memory_space<hbm>>) target_semaphore(%dma_start3A_315 : memref<!tpu.dma_semaphore, #tpu.memory_space<semaphore_mem>>)
      %add3A_322 = arith.constant 4 : i32
      %add3A_323 = arith.addi %add3A_153, %add3A_322 : i32
      %add3A_324 = arith.constant 5 : i32
      %add3A_325 = arith.addi %add3A_323, %add3A_324 : i32
      %sub3A_326 = arith.constant 1 : i32
      %sub3A_327 = arith.subi %add3A_325, %sub3A_326 : i32
      %lt3A_328 = arith.constant 50 : i32
      %lt3A_329 = arith.cmpi slt, %sub3A_327, %lt3A_328 : i32
      %convert_element_type3A_330 = arith.extui %lt3A_329 : i1 to i32
      %cond3A_331 = arith.constant 0 : i32
      %cond3A_332 = arith.cmpi ne, %convert_element_type3A_330, %cond3A_331 : i32
      scf.if %cond3A_332 {
        %gt3A = arith.constant 0 : i32
        %gt3A_365 = arith.cmpi sgt, %add3A_323, %gt3A : i32
        %convert_element_type3A_366 = arith.extui %gt3A_365 : i1 to i32
        %cond3A_367 = arith.constant 0 : i32
        %cond3A_368 = arith.cmpi ne, %convert_element_type3A_366, %cond3A_367 : i32
        scf.if %cond3A_368 {
          %dma_wait3A_387 = arith.constant 3 : i32
          %dma_wait3A_388 = arith.constant 3 : i32
          %dma_wait3A_389 = arith.constant 0 : i32
          %dma_wait3A_390 = arith.constant 0 : i32
          %dma_wait3A_391 = tpu.memref_slice %arg6[%dma_wait3A_387, %dma_wait3A_389, %dma_wait3A_390] : memref<5x512x32xf32, #tpu.memory_space<vmem>> -> memref<1x512x32xf32, #tpu.memory_space<vmem>>
          %dma_wait3A_392 = tpu.memref_squeeze %dma_wait3A_391 : memref<1x512x32xf32, #tpu.memory_space<vmem>> -> memref<512x32xf32, #tpu.memory_space<vmem>>
          %dma_wait3A_393 = arith.constant 0 : i32
          %dma_wait3A_394 = arith.constant 0 : i32
          %dma_wait3A_395 = tpu.memref_slice %arg4[%dma_wait3A_393, %dma_wait3A_394] : memref<819200x32xf32, #tpu.memory_space<hbm>> -> memref<512x32xf32, #tpu.memory_space<hbm>>
          %dma_wait3A_396 = tpu.memref_slice %arg8[%dma_wait3A_388] : memref<5x!tpu.dma_semaphore, #tpu.memory_space<semaphore_mem>> -> memref<1x!tpu.dma_semaphore, #tpu.memory_space<semaphore_mem>>
          %dma_wait3A_397 = tpu.memref_squeeze %dma_wait3A_396 : memref<1x!tpu.dma_semaphore, #tpu.memory_space<semaphore_mem>> -> memref<!tpu.dma_semaphore, #tpu.memory_space<semaphore_mem>>
          %dma_wait3A_398 = arith.constant 0 : i32
          %dma_wait3A_399 = arith.constant 0 : i32
          %dma_wait3A_400 = tpu.memref_slice %arg4[%dma_wait3A_398, %dma_wait3A_399] : memref<819200x32xf32, #tpu.memory_space<hbm>> -> memref<512x32xf32, #tpu.memory_space<hbm>>
          %dma_wait3A_401 = arith.constant 0 : i32
          %dma_wait3A_402 = arith.constant 0 : i32
          %dma_wait3A_403 = tpu.memref_slice %arg6[%dma_wait3A_387, %dma_wait3A_401, %dma_wait3A_402] : memref<5x512x32xf32, #tpu.memory_space<vmem>> -> memref<1x512x32xf32, #tpu.memory_space<vmem>>
          %dma_wait3A_404 = tpu.memref_squeeze %dma_wait3A_403 : memref<1x512x32xf32, #tpu.memory_space<vmem>> -> memref<512x32xf32, #tpu.memory_space<vmem>>
          tpu.wait_dma2 semaphore(%dma_wait3A_397 : memref<!tpu.dma_semaphore, #tpu.memory_space<semaphore_mem>>) src(%dma_wait3A_404 : memref<512x32xf32, #tpu.memory_space<vmem>>) dst(%dma_wait3A_400 : memref<512x32xf32, #tpu.memory_space<hbm>>)
        } else {
        }
        %add3A_369 = arith.constant 5 : i32
        %add3A_370 = arith.addi %add3A_323, %add3A_369 : i32
        %sub3A_371 = arith.constant 1 : i32
        %sub3A_372 = arith.subi %add3A_370, %sub3A_371 : i32
        %mul3A_373 = arith.constant 512 : i32
        %mul3A_374 = arith.muli %sub3A_372, %mul3A_373 : i32
        %dma_start3A_375 = arith.constant 3 : i32
        %dma_start3A_376 = arith.constant 3 : i32
        %dma_start3A_377 = arith.constant 0 : i32
        %dma_start3A_378 = arith.constant 0 : i32
        %dma_start3A_379 = tpu.memref_slice %arg6[%dma_start3A_375, %dma_start3A_377, %dma_start3A_378] : memref<5x512x32xf32, #tpu.memory_space<vmem>> -> memref<1x512x32xf32, #tpu.memory_space<vmem>>
        %dma_start3A_380 = tpu.memref_squeeze %dma_start3A_379 : memref<1x512x32xf32, #tpu.memory_space<vmem>> -> memref<512x32xf32, #tpu.memory_space<vmem>>
        %dma_start3A_381 = tpu.memref_slice %arg5[%mul3A_374] : memref<25600xi32, #tpu.memory_space<vmem>> -> memref<512xi32, #tpu.memory_space<vmem>>
        %dma_start3A_382 = arith.constant 0 : i32
        %dma_start3A_383 = arith.constant 0 : i32
        %dma_start3A_384 = tpu.memref_slice %arg2[%dma_start3A_382, %dma_start3A_383] : memref<1000000x32xf32, #tpu.memory_space<hbm>> -> memref<1000000x32xf32, #tpu.memory_space<hbm>>
        %dma_start3A_385 = tpu.memref_slice %arg7[%dma_start3A_376] : memref<5x!tpu.dma_semaphore, #tpu.memory_space<semaphore_mem>> -> memref<1x!tpu.dma_semaphore, #tpu.memory_space<semaphore_mem>>
        %dma_start3A_386 = tpu.memref_squeeze %dma_start3A_385 : memref<1x!tpu.dma_semaphore, #tpu.memory_space<semaphore_mem>> -> memref<!tpu.dma_semaphore, #tpu.memory_space<semaphore_mem>>
        tpu.enqueue_indirect_dma source(%dma_start3A_384 : memref<1000000x32xf32, #tpu.memory_space<hbm>>) target(%dma_start3A_380 : memref<512x32xf32, #tpu.memory_space<vmem>>) offsets(%dma_start3A_381 : memref<512xi32, #tpu.memory_space<vmem>>) semaphore(%dma_start3A_386 : memref<!tpu.dma_semaphore, #tpu.memory_space<semaphore_mem>>)
      } else {
      }
      %dma_wait3A_333 = arith.constant 4 : i32
      %dma_wait3A_334 = arith.constant 4 : i32
      %dma_wait3A_335 = arith.constant 0 : i32
      %dma_wait3A_336 = arith.constant 0 : i32
      %dma_wait3A_337 = tpu.memref_slice %arg6[%dma_wait3A_333, %dma_wait3A_335, %dma_wait3A_336] : memref<5x512x32xf32, #tpu.memory_space<vmem>> -> memref<1x512x32xf32, #tpu.memory_space<vmem>>
      %dma_wait3A_338 = tpu.memref_squeeze %dma_wait3A_337 : memref<1x512x32xf32, #tpu.memory_space<vmem>> -> memref<512x32xf32, #tpu.memory_space<vmem>>
      %dma_wait3A_339 = arith.constant 0 : i32
      %dma_wait3A_340 = tpu.memref_slice %arg5[%dma_wait3A_339] : memref<25600xi32, #tpu.memory_space<vmem>> -> memref<512xi32, #tpu.memory_space<vmem>>
      %dma_wait3A_341 = arith.constant 0 : i32
      %dma_wait3A_342 = arith.constant 0 : i32
      %dma_wait3A_343 = tpu.memref_slice %arg2[%dma_wait3A_341, %dma_wait3A_342] : memref<1000000x32xf32, #tpu.memory_space<hbm>> -> memref<1000000x32xf32, #tpu.memory_space<hbm>>
      %dma_wait3A_344 = tpu.memref_slice %arg7[%dma_wait3A_334] : memref<5x!tpu.dma_semaphore, #tpu.memory_space<semaphore_mem>> -> memref<1x!tpu.dma_semaphore, #tpu.memory_space<semaphore_mem>>
      %dma_wait3A_345 = tpu.memref_squeeze %dma_wait3A_344 : memref<1x!tpu.dma_semaphore, #tpu.memory_space<semaphore_mem>> -> memref<!tpu.dma_semaphore, #tpu.memory_space<semaphore_mem>>
      tpu.wait_indirect_dma semaphore(%dma_wait3A_345 : memref<!tpu.dma_semaphore, #tpu.memory_space<semaphore_mem>>) src(%dma_wait3A_343 : memref<1000000x32xf32, #tpu.memory_space<hbm>>) dst(%dma_wait3A_338 : memref<512x32xf32, #tpu.memory_space<vmem>>)
      %mul3A_346 = arith.constant 512 : i32
      %mul3A_347 = arith.muli %add3A_323, %mul3A_346 : i32
      %add3A_348 = arith.addi %mul3A_4, %mul3A_347 : i32
      %dma_start3A_349 = arith.constant 4 : i32
      %dma_start3A_350 = arith.constant 4 : i32
      %dma_start3A_351 = arith.constant 0 : i32
      %dma_start3A_352 = arith.constant 0 : i32
      %dma_start3A_353 = tpu.memref_slice %arg6[%dma_start3A_349, %dma_start3A_351, %dma_start3A_352] : memref<5x512x32xf32, #tpu.memory_space<vmem>> -> memref<1x512x32xf32, #tpu.memory_space<vmem>>
      %dma_start3A_354 = tpu.memref_squeeze %dma_start3A_353 : memref<1x512x32xf32, #tpu.memory_space<vmem>> -> memref<512x32xf32, #tpu.memory_space<vmem>>
      %dma_start3A_355 = arith.constant 0 : i32
      %dma_start3A_356 = tpu.memref_slice %arg4[%add3A_348, %dma_start3A_355] : memref<819200x32xf32, #tpu.memory_space<hbm>> -> memref<512x32xf32, #tpu.memory_space<hbm>>
      %dma_start3A_357 = tpu.memref_slice %arg8[%dma_start3A_350] : memref<5x!tpu.dma_semaphore, #tpu.memory_space<semaphore_mem>> -> memref<1x!tpu.dma_semaphore, #tpu.memory_space<semaphore_mem>>
      %dma_start3A_358 = tpu.memref_squeeze %dma_start3A_357 : memref<1x!tpu.dma_semaphore, #tpu.memory_space<semaphore_mem>> -> memref<!tpu.dma_semaphore, #tpu.memory_space<semaphore_mem>>
      %dma_start3A_359 = arith.constant 0 : i32
      %dma_start3A_360 = tpu.memref_slice %arg4[%add3A_348, %dma_start3A_359] : memref<819200x32xf32, #tpu.memory_space<hbm>> -> memref<512x32xf32, #tpu.memory_space<hbm>>
      %dma_start3A_361 = arith.constant 0 : i32
      %dma_start3A_362 = arith.constant 0 : i32
      %dma_start3A_363 = tpu.memref_slice %arg6[%dma_start3A_349, %dma_start3A_361, %dma_start3A_362] : memref<5x512x32xf32, #tpu.memory_space<vmem>> -> memref<1x512x32xf32, #tpu.memory_space<vmem>>
      %dma_start3A_364 = tpu.memref_squeeze %dma_start3A_363 : memref<1x512x32xf32, #tpu.memory_space<vmem>> -> memref<512x32xf32, #tpu.memory_space<vmem>>
      tpu.enqueue_dma source(%dma_start3A_364 : memref<512x32xf32, #tpu.memory_space<vmem>>) target(%dma_start3A_360 : memref<512x32xf32, #tpu.memory_space<hbm>>) target_semaphore(%dma_start3A_358 : memref<!tpu.dma_semaphore, #tpu.memory_space<semaphore_mem>>)
    }
    %scan3A_59 = arith.constant 10 : i32
    %dma_wait3A = arith.constant 0 : i32
    %dma_wait3A_60 = arith.constant 0 : i32
    %dma_wait3A_61 = arith.constant 0 : i32
    %dma_wait3A_62 = arith.constant 0 : i32
    %dma_wait3A_63 = tpu.memref_slice %arg6[%dma_wait3A, %dma_wait3A_61, %dma_wait3A_62] : memref<5x512x32xf32, #tpu.memory_space<vmem>> -> memref<1x512x32xf32, #tpu.memory_space<vmem>>
    %dma_wait3A_64 = tpu.memref_squeeze %dma_wait3A_63 : memref<1x512x32xf32, #tpu.memory_space<vmem>> -> memref<512x32xf32, #tpu.memory_space<vmem>>
    %dma_wait3A_65 = arith.constant 0 : i32
    %dma_wait3A_66 = arith.constant 0 : i32
    %dma_wait3A_67 = tpu.memref_slice %arg4[%dma_wait3A_65, %dma_wait3A_66] : memref<819200x32xf32, #tpu.memory_space<hbm>> -> memref<512x32xf32, #tpu.memory_space<hbm>>
    %dma_wait3A_68 = tpu.memref_slice %arg8[%dma_wait3A_60] : memref<5x!tpu.dma_semaphore, #tpu.memory_space<semaphore_mem>> -> memref<1x!tpu.dma_semaphore, #tpu.memory_space<semaphore_mem>>
    %dma_wait3A_69 = tpu.memref_squeeze %dma_wait3A_68 : memref<1x!tpu.dma_semaphore, #tpu.memory_space<semaphore_mem>> -> memref<!tpu.dma_semaphore, #tpu.memory_space<semaphore_mem>>
    %dma_wait3A_70 = arith.constant 0 : i32
    %dma_wait3A_71 = arith.constant 0 : i32
    %dma_wait3A_72 = tpu.memref_slice %arg4[%dma_wait3A_70, %dma_wait3A_71] : memref<819200x32xf32, #tpu.memory_space<hbm>> -> memref<512x32xf32, #tpu.memory_space<hbm>>
    %dma_wait3A_73 = arith.constant 0 : i32
    %dma_wait3A_74 = arith.constant 0 : i32
    %dma_wait3A_75 = tpu.memref_slice %arg6[%dma_wait3A, %dma_wait3A_73, %dma_wait3A_74] : memref<5x512x32xf32, #tpu.memory_space<vmem>> -> memref<1x512x32xf32, #tpu.memory_space<vmem>>
    %dma_wait3A_76 = tpu.memref_squeeze %dma_wait3A_75 : memref<1x512x32xf32, #tpu.memory_space<vmem>> -> memref<512x32xf32, #tpu.memory_space<vmem>>
    tpu.wait_dma2 semaphore(%dma_wait3A_69 : memref<!tpu.dma_semaphore, #tpu.memory_space<semaphore_mem>>) src(%dma_wait3A_76 : memref<512x32xf32, #tpu.memory_space<vmem>>) dst(%dma_wait3A_72 : memref<512x32xf32, #tpu.memory_space<hbm>>)
    %dma_wait3A_77 = arith.constant 1 : i32
    %dma_wait3A_78 = arith.constant 1 : i32
    %dma_wait3A_79 = arith.constant 0 : i32
    %dma_wait3A_80 = arith.constant 0 : i32
    %dma_wait3A_81 = tpu.memref_slice %arg6[%dma_wait3A_77, %dma_wait3A_79, %dma_wait3A_80] : memref<5x512x32xf32, #tpu.memory_space<vmem>> -> memref<1x512x32xf32, #tpu.memory_space<vmem>>
    %dma_wait3A_82 = tpu.memref_squeeze %dma_wait3A_81 : memref<1x512x32xf32, #tpu.memory_space<vmem>> -> memref<512x32xf32, #tpu.memory_space<vmem>>
    %dma_wait3A_83 = arith.constant 0 : i32
    %dma_wait3A_84 = arith.constant 0 : i32
    %dma_wait3A_85 = tpu.memref_slice %arg4[%dma_wait3A_83, %dma_wait3A_84] : memref<819200x32xf32, #tpu.memory_space<hbm>> -> memref<512x32xf32, #tpu.memory_space<hbm>>
    %dma_wait3A_86 = tpu.memref_slice %arg8[%dma_wait3A_78] : memref<5x!tpu.dma_semaphore, #tpu.memory_space<semaphore_mem>> -> memref<1x!tpu.dma_semaphore, #tpu.memory_space<semaphore_mem>>
    %dma_wait3A_87 = tpu.memref_squeeze %dma_wait3A_86 : memref<1x!tpu.dma_semaphore, #tpu.memory_space<semaphore_mem>> -> memref<!tpu.dma_semaphore, #tpu.memory_space<semaphore_mem>>
    %dma_wait3A_88 = arith.constant 0 : i32
    %dma_wait3A_89 = arith.constant 0 : i32
    %dma_wait3A_90 = tpu.memref_slice %arg4[%dma_wait3A_88, %dma_wait3A_89] : memref<819200x32xf32, #tpu.memory_space<hbm>> -> memref<512x32xf32, #tpu.memory_space<hbm>>
    %dma_wait3A_91 = arith.constant 0 : i32
    %dma_wait3A_92 = arith.constant 0 : i32
    %dma_wait3A_93 = tpu.memref_slice %arg6[%dma_wait3A_77, %dma_wait3A_91, %dma_wait3A_92] : memref<5x512x32xf32, #tpu.memory_space<vmem>> -> memref<1x512x32xf32, #tpu.memory_space<vmem>>
    %dma_wait3A_94 = tpu.memref_squeeze %dma_wait3A_93 : memref<1x512x32xf32, #tpu.memory_space<vmem>> -> memref<512x32xf32, #tpu.memory_space<vmem>>
    tpu.wait_dma2 semaphore(%dma_wait3A_87 : memref<!tpu.dma_semaphore, #tpu.memory_space<semaphore_mem>>) src(%dma_wait3A_94 : memref<512x32xf32, #tpu.memory_space<vmem>>) dst(%dma_wait3A_90 : memref<512x32xf32, #tpu.memory_space<hbm>>)
    %dma_wait3A_95 = arith.constant 2 : i32
    %dma_wait3A_96 = arith.constant 2 : i32
    %dma_wait3A_97 = arith.constant 0 : i32
    %dma_wait3A_98 = arith.constant 0 : i32
    %dma_wait3A_99 = tpu.memref_slice %arg6[%dma_wait3A_95, %dma_wait3A_97, %dma_wait3A_98] : memref<5x512x32xf32, #tpu.memory_space<vmem>> -> memref<1x512x32xf32, #tpu.memory_space<vmem>>
    %dma_wait3A_100 = tpu.memref_squeeze %dma_wait3A_99 : memref<1x512x32xf32, #tpu.memory_space<vmem>> -> memref<512x32xf32, #tpu.memory_space<vmem>>
    %dma_wait3A_101 = arith.constant 0 : i32
    %dma_wait3A_102 = arith.constant 0 : i32
    %dma_wait3A_103 = tpu.memref_slice %arg4[%dma_wait3A_101, %dma_wait3A_102] : memref<819200x32xf32, #tpu.memory_space<hbm>> -> memref<512x32xf32, #tpu.memory_space<hbm>>
    %dma_wait3A_104 = tpu.memref_slice %arg8[%dma_wait3A_96] : memref<5x!tpu.dma_semaphore, #tpu.memory_space<semaphore_mem>> -> memref<1x!tpu.dma_semaphore, #tpu.memory_space<semaphore_mem>>
    %dma_wait3A_105 = tpu.memref_squeeze %dma_wait3A_104 : memref<1x!tpu.dma_semaphore, #tpu.memory_space<semaphore_mem>> -> memref<!tpu.dma_semaphore, #tpu.memory_space<semaphore_mem>>
    %dma_wait3A_106 = arith.constant 0 : i32
    %dma_wait3A_107 = arith.constant 0 : i32
    %dma_wait3A_108 = tpu.memref_slice %arg4[%dma_wait3A_106, %dma_wait3A_107] : memref<819200x32xf32, #tpu.memory_space<hbm>> -> memref<512x32xf32, #tpu.memory_space<hbm>>
    %dma_wait3A_109 = arith.constant 0 : i32
    %dma_wait3A_110 = arith.constant 0 : i32
    %dma_wait3A_111 = tpu.memref_slice %arg6[%dma_wait3A_95, %dma_wait3A_109, %dma_wait3A_110] : memref<5x512x32xf32, #tpu.memory_space<vmem>> -> memref<1x512x32xf32, #tpu.memory_space<vmem>>
    %dma_wait3A_112 = tpu.memref_squeeze %dma_wait3A_111 : memref<1x512x32xf32, #tpu.memory_space<vmem>> -> memref<512x32xf32, #tpu.memory_space<vmem>>
    tpu.wait_dma2 semaphore(%dma_wait3A_105 : memref<!tpu.dma_semaphore, #tpu.memory_space<semaphore_mem>>) src(%dma_wait3A_112 : memref<512x32xf32, #tpu.memory_space<vmem>>) dst(%dma_wait3A_108 : memref<512x32xf32, #tpu.memory_space<hbm>>)
    %dma_wait3A_113 = arith.constant 3 : i32
    %dma_wait3A_114 = arith.constant 3 : i32
    %dma_wait3A_115 = arith.constant 0 : i32
    %dma_wait3A_116 = arith.constant 0 : i32
    %dma_wait3A_117 = tpu.memref_slice %arg6[%dma_wait3A_113, %dma_wait3A_115, %dma_wait3A_116] : memref<5x512x32xf32, #tpu.memory_space<vmem>> -> memref<1x512x32xf32, #tpu.memory_space<vmem>>
    %dma_wait3A_118 = tpu.memref_squeeze %dma_wait3A_117 : memref<1x512x32xf32, #tpu.memory_space<vmem>> -> memref<512x32xf32, #tpu.memory_space<vmem>>
    %dma_wait3A_119 = arith.constant 0 : i32
    %dma_wait3A_120 = arith.constant 0 : i32
    %dma_wait3A_121 = tpu.memref_slice %arg4[%dma_wait3A_119, %dma_wait3A_120] : memref<819200x32xf32, #tpu.memory_space<hbm>> -> memref<512x32xf32, #tpu.memory_space<hbm>>
    %dma_wait3A_122 = tpu.memref_slice %arg8[%dma_wait3A_114] : memref<5x!tpu.dma_semaphore, #tpu.memory_space<semaphore_mem>> -> memref<1x!tpu.dma_semaphore, #tpu.memory_space<semaphore_mem>>
    %dma_wait3A_123 = tpu.memref_squeeze %dma_wait3A_122 : memref<1x!tpu.dma_semaphore, #tpu.memory_space<semaphore_mem>> -> memref<!tpu.dma_semaphore, #tpu.memory_space<semaphore_mem>>
    %dma_wait3A_124 = arith.constant 0 : i32
    %dma_wait3A_125 = arith.constant 0 : i32
    %dma_wait3A_126 = tpu.memref_slice %arg4[%dma_wait3A_124, %dma_wait3A_125] : memref<819200x32xf32, #tpu.memory_space<hbm>> -> memref<512x32xf32, #tpu.memory_space<hbm>>
    %dma_wait3A_127 = arith.constant 0 : i32
    %dma_wait3A_128 = arith.constant 0 : i32
    %dma_wait3A_129 = tpu.memref_slice %arg6[%dma_wait3A_113, %dma_wait3A_127, %dma_wait3A_128] : memref<5x512x32xf32, #tpu.memory_space<vmem>> -> memref<1x512x32xf32, #tpu.memory_space<vmem>>
    %dma_wait3A_130 = tpu.memref_squeeze %dma_wait3A_129 : memref<1x512x32xf32, #tpu.memory_space<vmem>> -> memref<512x32xf32, #tpu.memory_space<vmem>>
    tpu.wait_dma2 semaphore(%dma_wait3A_123 : memref<!tpu.dma_semaphore, #tpu.memory_space<semaphore_mem>>) src(%dma_wait3A_130 : memref<512x32xf32, #tpu.memory_space<vmem>>) dst(%dma_wait3A_126 : memref<512x32xf32, #tpu.memory_space<hbm>>)
    %dma_wait3A_131 = arith.constant 4 : i32
    %dma_wait3A_132 = arith.constant 4 : i32
    %dma_wait3A_133 = arith.constant 0 : i32
    %dma_wait3A_134 = arith.constant 0 : i32
    %dma_wait3A_135 = tpu.memref_slice %arg6[%dma_wait3A_131, %dma_wait3A_133, %dma_wait3A_134] : memref<5x512x32xf32, #tpu.memory_space<vmem>> -> memref<1x512x32xf32, #tpu.memory_space<vmem>>
    %dma_wait3A_136 = tpu.memref_squeeze %dma_wait3A_135 : memref<1x512x32xf32, #tpu.memory_space<vmem>> -> memref<512x32xf32, #tpu.memory_space<vmem>>
    %dma_wait3A_137 = arith.constant 0 : i32
    %dma_wait3A_138 = arith.constant 0 : i32
    %dma_wait3A_139 = tpu.memref_slice %arg4[%dma_wait3A_137, %dma_wait3A_138] : memref<819200x32xf32, #tpu.memory_space<hbm>> -> memref<512x32xf32, #tpu.memory_space<hbm>>
    %dma_wait3A_140 = tpu.memref_slice %arg8[%dma_wait3A_132] : memref<5x!tpu.dma_semaphore, #tpu.memory_space<semaphore_mem>> -> memref<1x!tpu.dma_semaphore, #tpu.memory_space<semaphore_mem>>
    %dma_wait3A_141 = tpu.memref_squeeze %dma_wait3A_140 : memref<1x!tpu.dma_semaphore, #tpu.memory_space<semaphore_mem>> -> memref<!tpu.dma_semaphore, #tpu.memory_space<semaphore_mem>>
    %dma_wait3A_142 = arith.constant 0 : i32
    %dma_wait3A_143 = arith.constant 0 : i32
    %dma_wait3A_144 = tpu.memref_slice %arg4[%dma_wait3A_142, %dma_wait3A_143] : memref<819200x32xf32, #tpu.memory_space<hbm>> -> memref<512x32xf32, #tpu.memory_space<hbm>>
    %dma_wait3A_145 = arith.constant 0 : i32
    %dma_wait3A_146 = arith.constant 0 : i32
    %dma_wait3A_147 = tpu.memref_slice %arg6[%dma_wait3A_131, %dma_wait3A_145, %dma_wait3A_146] : memref<5x512x32xf32, #tpu.memory_space<vmem>> -> memref<1x512x32xf32, #tpu.memory_space<vmem>>
    %dma_wait3A_148 = tpu.memref_squeeze %dma_wait3A_147 : memref<1x512x32xf32, #tpu.memory_space<vmem>> -> memref<512x32xf32, #tpu.memory_space<vmem>>
    tpu.wait_dma2 semaphore(%dma_wait3A_141 : memref<!tpu.dma_semaphore, #tpu.memory_space<semaphore_mem>>) src(%dma_wait3A_148 : memref<512x32xf32, #tpu.memory_space<vmem>>) dst(%dma_wait3A_144 : memref<512x32xf32, #tpu.memory_space<hbm>>)
    return
  }
}

</mosaic_0001>

<sc_bundles>
// kernel: _embed.3.cloned.1.call-start
scs
__scs_entry_jumppad:
0x0: {  	(pc) =	sbr.rel $0x88, $3  }
0x1: {  	(tag) =	ssettag $0x0;
	lr =	simm.s32 $0x1  }
0x2: {  	[smem:$0x3F9F] =	sst lr;
	_ =	strace $0xD0000000  }
0x3: {  	_ = 	snop  }
0x4: {  	_ = 	snop  }
0x5: {  	_ = 	snop  }
0x6: {  	_ = 	snop  }
0x7: {  	_ = 	snop  }
__scs_overlays_trampoline_lowered:
0x8: {  	[smem:$0x3FAE] =	sst s0  }
0x9: {  	[smem:$0x3FAF] =	sst s1  }
0xa: {  	[smem:$0x3FB0] =	sst s2  }
0xb: {  	[smem:$0x3FB1] =	sst s3  }
0xc: {  	[smem:$0x3FB2] =	sst s4  }
0xd: {  	[smem:$0x3FB3] =	sst s5  }
0xe: {  	[smem:$0x3FB4] =	sst s6  }
0xf: {  	[smem:$0x3FB5] =	sst s7  }
0x10: {  	[smem:$0x3FB6] =	sst s8  }
0x11: {  	[smem:$0x3FB7] =	sst s9;
	s0 =	simm.s32 @!p0 $0x0  }
0x12: {  	s1 =	sld [smem:$0x3F9D];
	s0 =	simm.s32 @p0 $0x1  }
0x13: {  	[smem:$0x3FB8] =	sst s0;
	s0 =	simm.s32 @!p1 $0x0  }
0x14: {  	s2 =	sld [smem:$0x3F9C];
	s0 =	simm.s32 @p1 $0x1  }
0x15: {  	[smem:$0x3FB9] =	sst s0;
	s0 =	simm.s32 @!p2 $0x0  }
0x16: {  	s3 =	sld [smem:$0x3FDB];
	s0 =	simm.s32 @p2 $0x1  }
0x17: {  	s4 =	simm.s32 $0x1BF5;
	[smem:$0x3FBB] =	sst s0  }
0x18: {  	s0 =	sld [smem:$0x3F9E];
	_ =	swait.ge [sflag:s4], $0x0  }
0x19: {  	s7 =	sld [smem:$0x3F9F]  }
0x1a: {  	s8 =	sadd.s32 $0xFFFFE003, lr  }
0x1b: {  	s9 =	sadd.s32 $0xFFFFFEF7, lr;
	s5 =	simm.s32 $0xFFFFFFFF;
	p2 =	slt.u32 s8, $0xFFFFF086  }
0x1c: {  	p1 =	slt.u32 s9, $0xF7A;
	s5 =	simm.s32 @!p2 $0x0  }
0x1d: {  	s5 =	simm.s32 @p1 $0x1;
	p0 =	seq.s32 s7, s2  }
0x1e: {  	s7 =	smul.u32 @!p0 $0xF7A, s2;
	p2 =	seq.s32 @!p0 s5, $0x0  }
0x1f: {  	s9 =	smul.u32 $0xF7A, s1;
	s8 =	simm.s32 @!p0 $0x1BF5;
	p2 =	por !p2, p0  }
0x20: {  	[sflag:s8] =	ssyncset.s32 @!p0 $0xFFFFF086;
	s6 =	sadd.s32 @!p0 s3, s7;
	s7 =	simm.s32 @!p0 $0x108  }
0x21: {  	s3 =	sadd.s32 s3, s9;
	s6 =	sadd.s32 @!p0 $0x88, s6;
	s7 =	simm.s32 @p2 $0x1082  }
0x22: {  	[simem:s7], [sflag:s8] =	dma.local @!p0 [hbm:s6], $0xF7A  }
0x23: {  	s9 =	sor.u32 $0xD0000000, s2;
	s6 =	simm.s32 $0x108;
	_ =	swait.ge @!p0 [sflag:s8], $0x0  }
0x24: {  	s3 =	sadd.s32 $0x88, s3;
	s6 =	simm.s32 @!p1 $0x1082;
	[sflag:s4] =	ssyncset.s32 $0xFFFFF086  }
0x25: {  	[simem:s6], [sflag:s4] =	dma.local [hbm:s3], $0xF7A  }
0x26: {  	[smem:$0x3F9F] =	sst s1;
	(tag) =	ssettag s2;
	_ =	strace s9  }
0x27: {  	s1 =	sld [smem:$0x3FAF]  }
0x28: {  	s2 =	sld [smem:$0x3FB0]  }
0x29: {  	s4 =	sld [smem:$0x3FB2]  }
0x2a: {  	p0 =	seq.s32 s5, $0x0;
	s5 =	sld [smem:$0x3FB3]  }
0x2b: {  	s6 =	sld [smem:$0x3FB4]  }
0x2c: {  	s7 =	sld [smem:$0x3FB5]  }
0x2d: {  	s3 =	simm.s32 $0x108;
	s8 =	sld [smem:$0x3FB6]  }
0x2e: {  	s3 =	simm.s32 @!p0 $0x1082;
	s9 =	sld [smem:$0x3FB7]  }
0x2f: {  	lr =	sadd.s32 s0, s3;
	s0 =	sld [smem:$0x3FAE]  }
0x30: {  	s3 =	sld [smem:$0x3FB1]  }
0x31: {  	[smem:$0x3FBA] =	sst s10  }
0x32: {  	s10 =	sld [smem:$0x3FB8];
	_ =	sdelay $0x3  }
0x33: {  	p0 =	seq.s32 s10, $0x1;
	s10 =	sld [smem:$0x3FBA];
	_ =	sdelay $0x3  }
0x34: {  	[smem:$0x3FBA] =	sst s10  }
0x35: {  	s10 =	sld [smem:$0x3FB9];
	_ =	sdelay $0x3  }
0x36: {  	p1 =	seq.s32 s10, $0x1;
	s10 =	sld [smem:$0x3FBA];
	_ =	sdelay $0x3  }
0x37: {  	[smem:$0x3FBA] =	sst s10  }
0x38: {  	s10 =	sld [smem:$0x3FBB]  }
0x39: {  	_ = 	snop;
	(pc) =	sbr.ind lr, $3  }
0x3a: {  	_ = 	snop  }
0x3b: {  	_ = 	snop  }
0x3c: {  	p2 =	seq.s32 s10, $0x1;
	s10 =	sld [smem:$0x3FBA]  }
0x3d: {  	_ =	shalt  }
0x3e: {  	_ =	shalt  }
0x3f: {  	_ =	shalt  }
0x40: {  	_ =	shalt  }
0x41: {  	_ =	shalt  }
0x42: {  	_ =	shalt  }
0x43: {  	_ =	shalt  }
0x44: {  	_ =	shalt  }
0x45: {  	_ =	shalt  }
0x46: {  	_ =	shalt  }
0x47: {  	_ =	shalt  }
0x48: {  	_ =	shalt  }
0x49: {  	_ =	shalt  }
0x4a: {  	_ =	shalt  }
0x4b: {  	_ =	shalt  }
0x4c: {  	_ =	shalt  }
0x4d: {  	_ =	shalt  }
0x4e: {  	_ =	shalt  }
0x4f: {  	_ =	shalt  }
0x50: {  	_ =	shalt  }
0x51: {  	_ =	shalt  }
0x52: {  	_ =	shalt  }
0x53: {  	_ =	shalt  }
0x54: {  	_ =	shalt  }
0x55: {  	_ =	shalt  }
0x56: {  	_ =	shalt  }
0x57: {  	_ =	shalt  }
0x58: {  	_ =	shalt  }
0x59: {  	_ =	shalt  }
0x5a: {  	_ =	shalt  }
0x5b: {  	_ =	shalt  }
0x5c: {  	_ =	shalt  }
0x5d: {  	_ =	shalt  }
0x5e: {  	_ =	shalt  }
0x5f: {  	_ =	shalt  }
0x60: {  	_ =	shalt  }
0x61: {  	_ =	shalt  }
0x62: {  	_ =	shalt  }
0x63: {  	_ =	shalt  }
0x64: {  	_ =	shalt  }
0x65: {  	_ =	shalt  }
0x66: {  	_ =	shalt  }
0x67: {  	_ =	shalt  }
0x68: {  	_ =	shalt  }
0x69: {  	_ =	shalt  }
0x6a: {  	_ =	shalt  }
0x6b: {  	_ =	shalt  }
0x6c: {  	_ =	shalt  }
0x6d: {  	_ =	shalt  }
0x6e: {  	_ =	shalt  }
0x6f: {  	_ =	shalt  }
0x70: {  	_ =	shalt  }
0x71: {  	_ =	shalt  }
0x72: {  	_ =	shalt  }
0x73: {  	_ =	shalt  }
0x74: {  	_ =	shalt  }
0x75: {  	_ =	shalt  }
0x76: {  	_ =	shalt  }
0x77: {  	_ =	shalt  }
0x78: {  	_ =	shalt  }
0x79: {  	_ =	shalt  }
0x7a: {  	_ =	shalt  }
0x7b: {  	_ =	shalt  }
0x7c: {  	_ =	shalt  }
0x7d: {  	_ =	shalt  }
0x7e: {  	_ =	shalt  }
0x7f: {  	_ =	shalt  }
0x80: {  	_ =	shalt  }
0x81: {  	_ =	shalt  }
0x82: {  	_ =	shalt  }
0x83: {  	_ =	shalt  }
0x84: {  	_ =	shalt  }
0x85: {  	_ =	shalt  }
0x86: {  	_ =	shalt  }
0x87: {  	_ =	shalt  }
.Lfunc_end0:
.L_simem_size_0:
called_computation.1_lowered:
.L_overlay_start_0:
0x88: {  	s2 =	sld [smem:$0x3FD9]  }
0x89: {  	s3 =	sld [smem:$0x3FFE];
	_ =	sdelay $0x1  }
0x8a: {  	s1 =	srdreg.scid  }
0x8b: {  	s0 =	sand.u32 $0x1, s1  }
0x8c: {  	s17 =	sshll.u32 s0, $0xA;
	s2 =	sadd.s32 s3, s2  }
0x8d: {  	s2 =	sadd.s32 s2, s17  }
0x8e: {  	[smem:$0x3FC6] =	sst s2  }
0x8f: {  	_ = 	snop  }
0x90: {  	s2 =	sld [smem:$0x3FC8]  }
0x91: {  	s18 =	sld [smem:$0x3FD0];
	(tm) =	ssettm $0x1  }
0x92: {  	s4 =	sld [smem:$0x3FFB];
	_ =	sdelay $0x3  }
0x93: {  	_ =	strace s4  }
0x94: {  	s4 =	sld [smem:$0x3FFC];
	_ =	sdelay $0x3  }
0x95: {  	_ =	strace s4  }
0x96: {  	s4 =	sld [smem:$0x3FFD];
	_ =	sdelay $0x3  }
0x97: {  	_ =	strace s4  }
0x98: {  	_ =	strace $0x8FFFFFFF  }
0x99: {  	s19 =	sld [smem:$0x3FDB];
	_ =	sdelay $0x1  }
0x9a: {  	s5 =	simm.s32 $_scs_section_size  }
0x9b: {  	s6 =	simm.s32 $_size__tile_overlayer_lowered;
	s7 =	simm.s32 $_tile_overlayer_lowered  }
0x9c: {  	s22 =	simm.s32 $0x1BFF;
	s21 =	sshll.u32 s7, $0x1;
	s4 =	sadd.s32 s5, s19  }
0x9d: {  	s8 =	simm.s32 $0x0;
	s20 =	sshll.u32 s6, $0x1;
	s6 =	sadd.s32 s21, s4  }
0x9e: {  	[timem:s8], [sflag:s22] =	dma.local [hbm:s6], s20  }
0x9f: {  	_ =	swait.ge [sflag:s22], s20  }
0xa0: {  	s5 =	ssub.s32 $0x0, s20;
	[sflag:s22] =	ssyncset.done $0x0  }
0xa1: {  	[sflag:s22] =	ssyncadd.s32 s5;
	_ =	sdelay $0x1  }
0xa2: {  	s23 =	simm.s32 $0x1B8B  }
0xa3: {  	_ =	swait.ge [sflag:s23], $0x1  }
0xa4: {  	[sflag:s23] =	ssyncset.done $0x0  }
0xa5: {  	s25 =	simm.s32 $0x1B8E;
	s24 =	sld [smem:$0x3FFE];
	[sflag:s23] =	ssyncadd.s32 $0xFFFFFFFF  }
0xa6: {  	s26 =	simm.s32 $execute0_lowered;
	[smem:$0x3FD2] =	sst s25  }
0xa7: {  	s6 =	sshll.u32 s26, $0x1;
	_ =	strace $0x80000046;
	[dreg:$0x1] =	wrdreg $0xFFFFFFFF  }
0xa8: {  	s28 =	simm.s32 $_size_execute0_lowered;
	s4 =	sadd.s32 s4, s6;
	[dreg:$0x0] =	wrdreg $0x0  }
0xa9: {  	s6 =	sshll.u32 s28, $0x1;
	[dreg:$0x2] =	wrdreg s4  }
0xaa: {  	[dreg:$0x3] =	wrdreg s6  }
0xab: {  	[dreg:$0x4] =	wrdreg $0xC0  }
0xac: {  	_ =	task [dreg:s8], $0x5FFFF  }
0xad: {  	[dreg:$0x1] =	wrdreg $0xFFFFFFFF  }
0xae: {  	[dreg:$0x0] =	wrdreg $0x60  }
0xaf: {  	[dreg:$0x2] =	wrdreg s24  }
0xb0: {  	[dreg:$0x3] =	wrdreg s2  }
0xb1: {  	[dreg:$0x4] =	wrdreg s18  }
0xb2: {  	[dreg:$0x5] =	wrdreg $0x9  }
0xb3: {  	_ =	task.clear_ibuf [dreg:s8], $0x6FFFF;
	_ =	strace $0x90000046  }
0xb4: {  	s29 =	simm.s32 $0x9;
	_ =	strace $0x80000048  }
0xb5: {  	_ =	swait.ge [sflag:s29], $0x1  }
0xb6: {  	[sflag:s29] =	ssyncadd.s32 $0xFFFFFFFF  }
0xb7: {  	_ =	strace $0x90000048  }
0xb8: {  	_ =	sfence  }
0xb9: {  	s30 =	sld [smem:$0x0];
	_ =	sdelay $0x2  }
0xba: {  	s31 =	sshll.u32 s1, $0xD;
	s1 =	sshrl.u32 s1, $0x2  }
0xbb: {  	s3 =	sand.u32 $0x4000, s31;
	s1 =	sadd.s32 s1, s30  }
0xbc: {  	s0 =	sor.u32 s3, s0;
	s1 =	sshll.u32 s1, $0x11  }
0xbd: {  	s0 =	sor.u32 s1, s0  }
0xbe: {  	s0 =	sadd.s32 $0x8F2B, s0  }
0xbf: {  	[sflag:s0] =	ssyncadd.remote.s32 $0x1  }
0xc0: {  	_ =	sfence.sel $0xFFFF  }
0xc1: {  	[dreg:$0x0] =	wrdreg $0xFFFFFFFF;
	(pc) =	sbr.abs _section_cstart, $3  }
0xc2: {  	[dreg:$0x1] =	wrdreg $0xFFFFFFFF  }
0xc3: {  	_ =	task.clear_ibuf [dreg:s8], $0x2FFFF;
	_ =	strace $0x9FFFFFFF  }
0xc4: {  	(tm) =	ssettm $0x7FFFFFFF  }
0xc5: {  	_ =	shalt  }
tec
execute0_lowered:
.L_overlay_start_1:
0x0: {  	(tag) =	ssettag $0x1  }
0x1: {  	s3 =	rddreg [dreg:$0x0]  }
0x2: {  	s1 =	srdreg.scid;
	s4 =	rddreg [dreg:$0x1]  }
0x3: {  	s0 =	stileid.u32;
	s6 =	rddreg [dreg:$0x2]  }
0x4: {  	s2 =	simm.s32 $0x0;
	s14 =	simm.s32 $0x16400;
	s11 =	smul.u32 $0xC800, s0  }
0x5: {  	s15 =	simm.s32 $0x1;
	s16 =	simm.s32 $0x2;
	s12 =	smul.u32 $0x32000, s0  }
0x6: {  	s17 =	simm.s32 $0x3;
	s5 =	sand.u32 $0x1, s1;
	s22 =	smul.u32 $0x190000, s0  }
0x7: {  	s18 =	simm.s32 $0x5;
	s20 =	sshll.u32 s0, $0x1;
	s21 =	smul.u32 $0x6400, s5  }
0x8: {  	[smem:$0x7FF] =	sst s2;
	s3 =	sadd.s32 $0xF42C00, s3;
	s13 =	smul.u32 $0xC8000, s5  }
0x9: {  	s7 =	sor.u32 s5, s20;
	s9 =	ssub.s32 $0x2, s5;
	s5 =	smul.u32 $0x19000, s5  }
0xa: {  	s19 =	simm.s32 $0x6;
	_ =	strace $0x80000047;
	s8 =	smul.u32 $0x6400, s7  }
0xb: {  	s20 =	simm.s32 $0x7;
	s7 =	smul.u32 $0xC8000, s7;
	s10 =	sshrl.u32 s9, $0x1  }
0xc: {  	s24 =	sadd.s32 s12, s6;
	s9 =	ssub.s32 s9, s10;
	s10 =	sadd.s32 s21, s11  }
0xd: {  	s11 =	sadd.s32 s13, s22;
	s5 =	sadd.s32 s5, s24;
	s13 =	simm.s32 $0x12400  }
0xe: {  	s21 =	simm.s32 $0x8;
	s22 =	simm.s32 $0x9;
	s24 =	simm.s32 $0x0  }
0xf: {  	s8 =	sshrl.u32 s8, $0x3;
	s7 =	sshrl.u32 s7, $0x3;
	s10 =	sshll.u32 s10, $0x2  }
0x10: {  	s25 =	sadd.s32 $0x10000, s11;
	[dreg:$0x6] =	wrdreg s5;
	s28 =	sadd.s32 $0xC000, s11  }
0x11: {  	s29 =	sadd.s32 $0x8000, s11;
	s11 =	simm.s32 $0xE400;
	s7 =	sadd.s32 s6, s7  }
0x12: {  	s23 =	sadd.s32 s10, s6;
	s26 =	sshrl.u32 s25, $0x3;
	s7 =	sadd.s32 $0x18000, s7  }
0x13: {  	s31 =	sshrl.u32 s29, $0x3;
	s5 =	sadd.s32 s26, s6;
	[dreg:$0x4] =	wrdreg s7  }
0x14: {  	s4 =	sadd.s32 s4, s8;
	s7 =	sadd.s32 $0x800, s23;
	[dreg:$0x7] =	wrdreg s5  }
0x15: {  	s8 =	simm.s32 $0x6400;
	[dreg:$0x5] =	wrdreg s7;
	s7 =	sshrl.u32 s28, $0x3  }
0x16: {  	s5 =	smax.u32 s9, $0x1;
	s9 =	simm.s32 $0xA400;
	s30 =	sadd.s32 s7, s6  }
0x17: {  	s23 =	simm.s32 $0xA;
	s6 =	sadd.s32 s31, s6;
	[dreg:$0x8] =	wrdreg s30  }
0x18: {  	s7 =	simm.s32 $0x200;
	[dreg:$0x9] =	wrdreg s6;
	s6 =	simm.s32 $0xB  }
.LBB2_1:
0x19: {  	[tilespmem:s2], [sflag:$0xB] =	stream.linear.gather [hbm4b:s4+s2], $0x6400, $0x38;
	[tilespmem:$0x1A400] =	vst v63  }
0x1a: {  	_ =	swait.ge [sflag:s6], $0x6400  }
0x1b: {  	[sflag:s6] =	ssyncset.done $0x0  }
0x1c: {  	[sflag:s6] =	ssyncadd.s32 $0xFFFF9C00  }
0x1d: {  	[tilespmem:s8], [sflag:$0x1] =	stream.indirect.gather [hbm4b:s3+s7], $0x20, s2, s7, $0xb8;
	[tilespmem:$0x1A400] =	vst v63  }
0x1e: {  	p0 =	por $0x1, $0x1  }
0x1f: {  	[tilespmem:s9], [sflag:$0x2] =	stream.indirect.gather [hbm4b:s3+s7], $0x20, s7, s7, $0xb8;
	[tilespmem:$0x1A400] =	vst v63  }
0x20: {  	s0 =	simm.s32 $0x400;
	p0 =	por p0, p0  }
0x21: {  	[tilespmem:s11], [sflag:$0x3] =	stream.indirect.gather [hbm4b:s3+s7], $0x20, s0, s7, $0xb8;
	[tilespmem:$0x1A400] =	vst v63  }
0x22: {  	s1 =	simm.s32 $0x600;
	s25 =	simm.s32 @!p0 $0xA  }
0x23: {  	[tilespmem:s13], [sflag:$0x4] =	stream.indirect.gather [hbm4b:s3+s7], $0x20, s1, s7, $0xb8;
	[tilespmem:$0x1A400] =	vst v63  }
0x24: {  	_ =	swait.ge @!p0 [sflag:s25], $0x4000  }
0x25: {  	[sflag:s25] =	ssyncset.done @!p0 $0x0  }
0x26: {  	s10 =	simm.s32 $0x800;
	[sflag:s25] =	ssyncadd.s32 @!p0 $0xFFFFC000  }
0x27: {  	[tilespmem:s14], [sflag:$0x5] =	stream.indirect.gather [hbm4b:s3+s7], $0x20, s10, s7, $0xb8;
	[tilespmem:$0x1A400] =	vst v63  }
0x28: {  	_ =	swait.ge [sflag:s15], $0x4000  }
0x29: {  	s12 =	rddreg [dreg:$0x6];
	[sflag:s15] =	ssyncset.done $0x0  }
0x2a: {  	p0 =	por $0x0, $0x0;
	[sflag:s15] =	ssyncadd.s32 $0xFFFFC000;
	s25 =	sadd.s32 $0x0, s12  }
0x2b: {  	[hbm4b:s25+s2] =	stream.linear.scatter [tilespmem:s8], [sflag:$0x6], $0x4000, $0x38;
	[tilespmem:$0x1A400] =	vst v63  }
0x2c: {  	s25 =	simm.s32 @!p0 $0x6  }
0x2d: {  	_ =	swait.ge @!p0 [sflag:s25], $0x4000  }
0x2e: {  	s26 =	simm.s32 @!p0 $0xA00;
	[sflag:s25] =	ssyncset.done @!p0 $0x0  }
0x2f: {  	s28 =	simm.s32 @!p0 $0x200;
	s29 =	simm.s32 @!p0 $0x6400;
	[sflag:s25] =	ssyncadd.s32 @!p0 $0xFFFFC000  }
0x30: {  	[tilespmem:s29], [sflag:$0x1] =	stream.indirect.gather @!p0 [hbm4b:s3+s28], $0x20, s26, s28, $0xb8;
	[tilespmem:$0x1A400] =	vst v63  }
0x31: {  	_ =	swait.ge [sflag:s16], $0x4000  }
0x32: {  	s26 =	rddreg [dreg:$0x5];
	[sflag:s16] =	ssyncset.done $0x0  }
0x33: {  	[sflag:s16] =	ssyncadd.s32 $0xFFFFC000;
	s25 =	sadd.s32 $0x0, s26;
	s26 =	simm.s32 @!p0 $0x7  }
0x34: {  	[hbm4b:s25+s2] =	stream.linear.scatter [tilespmem:s9], [sflag:$0x7], $0x4000, $0x38;
	[tilespmem:$0x1A400] =	vst v63  }
0x35: {  	_ =	swait.ge @!p0 [sflag:s26], $0x4000  }
0x36: {  	[sflag:s26] =	ssyncset.done @!p0 $0x0  }
0x37: {  	s29 =	simm.s32 @!p0 $0xA400;
	s25 =	simm.s32 @!p0 $0xC00;
	[sflag:s26] =	ssyncadd.s32 @!p0 $0xFFFFC000  }
0x38: {  	[tilespmem:s29], [sflag:$0x2] =	stream.indirect.gather @!p0 [hbm4b:s3+s28], $0x20, s25, s28, $0xb8;
	[tilespmem:$0x1A400] =	vst v63  }
0x39: {  	_ =	swait.ge [sflag:s17], $0x4000  }
0x3a: {  	s31 =	rddreg [dreg:$0x9];
	[sflag:s17] =	ssyncset.done $0x0  }
0x3b: {  	s26 =	simm.s32 @p0 $0x4;
	[sflag:s17] =	ssyncadd.s32 $0xFFFFC000;
	s25 =	sadd.s32 $0x0, s31  }
0x3c: {  	[hbm4b:s25+s2] =	stream.linear.scatter [tilespmem:s11], [sflag:$0x8], $0x4000, $0x38;
	[tilespmem:$0x1A400] =	vst v63  }
0x3d: {  	_ =	swait.ge @p0 [sflag:s26], $0x4000  }
0x3e: {  	s30 =	simm.s32 @!p0 $0x8;
	s29 =	simm.s32 @p0 $0x12400;
	[sflag:s26] =	ssyncset.done @p0 $0x0  }
0x3f: {  	s25 =	rddreg [dreg:$0x4];
	[sflag:s26] =	ssyncadd.s32 @p0 $0xFFFFC000;
	s26 =	simm.s32 @p0 $0x0  }
0x40: {  	[hbm4b:s25+s26] =	stream.linear.scatter @p0 [tilespmem:s29], [sflag:$0x9], $0x4000, $0x38;
	[tilespmem:$0x1A400] =	vst v63  }
0x41: {  	_ =	swait.ge @!p0 [sflag:s30], $0x4000  }
0x42: {  	s25 =	simm.s32 @!p0 $0xE00;
	[sflag:s30] =	ssyncset.done @!p0 $0x0  }
0x43: {  	s26 =	simm.s32 @!p0 $0xE400;
	s29 =	simm.s32 @!p0 $0x4;
	[sflag:s30] =	ssyncadd.s32 @!p0 $0xFFFFC000  }
0x44: {  	[tilespmem:s26], [sflag:$0x3] =	stream.indirect.gather @!p0 [hbm4b:s3+s28], $0x20, s25, s28, $0xb8;
	[tilespmem:$0x1A400] =	vst v63  }
0x45: {  	s30 =	simm.s32 @!p0 $0x9;
	_ =	swait.ge @!p0 [sflag:s29], $0x4000  }
0x46: {  	s26 =	simm.s32 @!p0 $0x0;
	s25 =	rddreg [dreg:$0x8];
	[sflag:s29] =	ssyncset.done @!p0 $0x0  }
0x47: {  	[sflag:s29] =	ssyncadd.s32 @!p0 $0xFFFFC000;
	s29 =	simm.s32 @!p0 $0x12400;
	s25 =	sadd.s32 @!p0 $0x0, s25  }
0x48: {  	[hbm4b:s25+s26] =	stream.linear.scatter @!p0 [tilespmem:s29], [sflag:$0x9], $0x4000, $0x38;
	[tilespmem:$0x1A400] =	vst v63  }
0x49: {  	_ =	swait.ge @!p0 [sflag:s30], $0x4000  }
0x4a: {  	[sflag:s30] =	ssyncset.done @!p0 $0x0  }
0x4b: {  	p6 =	por $0x0, $0x0;
	s26 =	simm.s32 @!p0 $0x1000;
	[sflag:s30] =	ssyncadd.s32 @!p0 $0xFFFFC000  }
0x4c: {  	[tilespmem:s29], [sflag:$0x4] =	stream.indirect.gather @!p0 [hbm4b:s3+s28], $0x20, s26, s28, $0xb8;
	[tilespmem:$0x1A400] =	vst v63  }
0x4d: {  	s25 =	simm.s32 $0x2800;
	s26 =	simm.s32 $0x5000;
	_ =	swait.ge [sflag:s18], $0x4000  }
0x4e: {  	p0 =	por p6, p6;
	s28 =	simm.s32 $0x0;
	[sflag:s18] =	ssyncset.done $0x0  }
0x4f: {  	s29 =	simm.s32 @!p0 $0xA;
	s30 =	rddreg [dreg:$0x7];
	[sflag:s18] =	ssyncadd.s32 $0xFFFFC000  }
.LBB2_2:
0x50: {  	s30 =	sadd.s32 s28, s30  }
0x51: {  	[hbm4b:s30+s2] =	stream.linear.scatter [tilespmem:s14], [sflag:$0xA], $0x4000, $0x38;
	[tilespmem:$0x1A400] =	vst v63  }
0x52: {  	s28 =	smov.u32 s25;
	_ =	swait.ge @!p0 [sflag:s29], $0x4000  }
0x53: {  	s30 =	sshra.s32 s28, $0x2;
	[sflag:s29] =	ssyncset.done @!p0 $0x0  }
0x54: {  	p2 =	seq.s32 s26, $0x0;
	[sflag:s29] =	ssyncadd.s32 @!p0 $0xFFFFC000;
	s29 =	sadd.s32 $0x800, s30  }
0x55: {  	[tilespmem:s14], [sflag:$0x5] =	stream.indirect.gather [hbm4b:s3+s7], $0x20, s29, s7, $0xb8;
	[tilespmem:$0x1A400] =	vst v63  }
0x56: {  	p0 =	por p2, p2;
	_ =	swait.ge [sflag:s15], $0x4000  }
0x57: {  	p2 =	seq.s32 s28, $0x16800;
	s29 =	rddreg [dreg:$0x6];
	[sflag:s15] =	ssyncset.done $0x0  }
0x58: {  	s30 =	simm.s32 @!p2 $0x6;
	[sflag:s15] =	ssyncadd.s32 $0xFFFFC000;
	s29 =	sadd.s32 s28, s29  }
0x59: {  	[hbm4b:s29+s2] =	stream.linear.scatter [tilespmem:s8], [sflag:$0x6], $0x4000, $0x38;
	[tilespmem:$0x1A400] =	vst v63  }
0x5a: {  	_ =	swait.ge @!p2 [sflag:s30], $0x4000  }
0x5b: {  	s31 =	sshra.s32 @!p2 s28, $0x2;
	s10 =	simm.s32 @!p2 $0x6400;
	[sflag:s30] =	ssyncset.done @!p2 $0x0  }
0x5c: {  	s1 =	sadd.s32 @!p2 $0xA00, s31;
	s29 =	simm.s32 @!p2 $0x200;
	[sflag:s30] =	ssyncadd.s32 @!p2 $0xFFFFC000  }
0x5d: {  	[tilespmem:s10], [sflag:$0x1] =	stream.indirect.gather @!p2 [hbm4b:s3+s29], $0x20, s1, s29, $0xb8;
	[tilespmem:$0x1A400] =	vst v63  }
0x5e: {  	_ =	swait.ge [sflag:s16], $0x4000  }
0x5f: {  	s10 =	rddreg [dreg:$0x5];
	[sflag:s16] =	ssyncset.done $0x0  }
0x60: {  	[sflag:s16] =	ssyncadd.s32 $0xFFFFC000;
	s1 =	sadd.s32 s28, s10;
	s10 =	simm.s32 @!p2 $0x7  }
0x61: {  	[hbm4b:s1+s2] =	stream.linear.scatter [tilespmem:s9], [sflag:$0x7], $0x4000, $0x38;
	[tilespmem:$0x1A400] =	vst v63  }
0x62: {  	_ =	swait.ge @!p2 [sflag:s10], $0x4000  }
0x63: {  	[sflag:s10] =	ssyncset.done @!p2 $0x0  }
0x64: {  	s0 =	sadd.s32 @!p2 $0xC00, s31;
	s1 =	simm.s32 @!p2 $0xA400;
	[sflag:s10] =	ssyncadd.s32 @!p2 $0xFFFFC000  }
0x65: {  	[tilespmem:s1], [sflag:$0x2] =	stream.indirect.gather @!p2 [hbm4b:s3+s29], $0x20, s0, s29, $0xb8;
	[tilespmem:$0x1A400] =	vst v63  }
0x66: {  	s12 =	sadd.s32 @!p2 $0xE00, s31;
	_ =	swait.ge [sflag:s17], $0x4000  }
0x67: {  	s30 =	sadd.s32 @!p2 $0x1000, s31;
	s31 =	rddreg [dreg:$0x9];
	[sflag:s17] =	ssyncset.done $0x0  }
0x68: {  	s1 =	simm.s32 @p2 $0x4;
	[sflag:s17] =	ssyncadd.s32 $0xFFFFC000;
	s0 =	sadd.s32 s28, s31  }
0x69: {  	[hbm4b:s0+s2] =	stream.linear.scatter [tilespmem:s11], [sflag:$0x8], $0x4000, $0x38;
	[tilespmem:$0x1A400] =	vst v63  }
0x6a: {  	_ =	swait.ge @p2 [sflag:s1], $0x4000  }
0x6b: {  	s10 =	simm.s32 @p2 $0x12400;
	s31 =	simm.s32 @!p2 $0x8;
	[sflag:s1] =	ssyncset.done @p2 $0x0  }
0x6c: {  	s0 =	rddreg [dreg:$0x4];
	[sflag:s1] =	ssyncadd.s32 @p2 $0xFFFFC000;
	s1 =	simm.s32 @p2 $0x0  }
0x6d: {  	[hbm4b:s0+s1] =	stream.linear.scatter @p2 [tilespmem:s10], [sflag:$0x9], $0x4000, $0x38;
	[tilespmem:$0x1A400] =	vst v63  }
0x6e: {  	_ =	swait.ge @!p2 [sflag:s31], $0x4000  }
0x6f: {  	[sflag:s31] =	ssyncset.done @!p2 $0x0  }
0x70: {  	s0 =	simm.s32 @!p2 $0xE400;
	s1 =	simm.s32 @!p2 $0x4;
	[sflag:s31] =	ssyncadd.s32 @!p2 $0xFFFFC000  }
0x71: {  	[tilespmem:s0], [sflag:$0x3] =	stream.indirect.gather @!p2 [hbm4b:s3+s29], $0x20, s12, s29, $0xb8;
	[tilespmem:$0x1A400] =	vst v63  }
0x72: {  	s10 =	simm.s32 @!p2 $0x12400;
	_ =	swait.ge @!p2 [sflag:s1], $0x4000  }
0x73: {  	s12 =	simm.s32 @!p2 $0x9;
	[sflag:s1] =	ssyncset.done @!p2 $0x0;
	s0 =	rddreg [dreg:$0x8]  }
0x74: {  	[sflag:s1] =	ssyncadd.s32 @!p2 $0xFFFFC000;
	s1 =	simm.s32 @!p2 $0x0;
	s0 =	sadd.s32 @!p2 s28, s0  }
0x75: {  	[hbm4b:s0+s1] =	stream.linear.scatter @!p2 [tilespmem:s10], [sflag:$0x9], $0x4000, $0x38;
	[tilespmem:$0x1A400] =	vst v63  }
0x76: {  	s25 =	smov.u32 s26;
	s26 =	sadd.s32 $0x2800, s26;
	_ =	swait.ge @!p2 [sflag:s12], $0x4000  }
0x77: {  	p1 =	sne.s32 s26, $0x19000;
	[sflag:s12] =	ssyncset.done @!p2 $0x0  }
.Ltmp0:
0x78: {  	[sflag:s12] =	ssyncadd.s32 @!p2 $0xFFFFC000;
	(pc) =	sbr.rel @p1 .LBB2_2-.Ltmp0, $4  }
0x79: {  	[tilespmem:s10], [sflag:$0x4] =	stream.indirect.gather @!p2 [hbm4b:s3+s29], $0x20, s30, s29, $0xb8;
	[tilespmem:$0x1A400] =	vst v63  }
0x7a: {  	_ =	swait.ge [sflag:s18], $0x4000  }
0x7b: {  	[sflag:s18] =	ssyncset.done $0x0  }
0x7c: {  	s29 =	simm.s32 @!p0 $0xA;
	s30 =	rddreg [dreg:$0x7];
	[sflag:s18] =	ssyncadd.s32 $0xFFFFC000  }
0x7d: {  	s0 =	sadd.s32 s28, s30  }
0x7e: {  	[hbm4b:s0+s2] =	stream.linear.scatter [tilespmem:s14], [sflag:$0xA], $0x4000, $0x38;
	[tilespmem:$0x1A400] =	vst v63  }
0x7f: {  	_ =	swait.ge @!p0 [sflag:s29], $0x4000  }
0x80: {  	s26 =	sshra.s32 s25, $0x2;
	[sflag:s29] =	ssyncset.done @!p0 $0x0  }
0x81: {  	s0 =	sadd.s32 $0x800, s26;
	[sflag:s29] =	ssyncadd.s32 @!p0 $0xFFFFC000  }
0x82: {  	[tilespmem:s14], [sflag:$0x5] =	stream.indirect.gather [hbm4b:s3+s7], $0x20, s0, s7, $0xb8;
	[tilespmem:$0x1A400] =	vst v63  }
0x83: {  	_ =	swait.ge [sflag:s15], $0x4000  }
0x84: {  	s28 =	rddreg [dreg:$0x6];
	[sflag:s15] =	ssyncset.done $0x0  }
0x85: {  	p0 =	seq.s32 s25, $0x16800;
	[sflag:s15] =	ssyncadd.s32 $0xFFFFC000;
	s0 =	sadd.s32 s25, s28  }
0x86: {  	[hbm4b:s0+s2] =	stream.linear.scatter [tilespmem:s8], [sflag:$0x6], $0x4000, $0x38;
	[tilespmem:$0x1A400] =	vst v63  }
0x87: {  	s0 =	simm.s32 @!p0 $0x6  }
0x88: {  	_ =	swait.ge @!p0 [sflag:s0], $0x4000  }
0x89: {  	s1 =	sshra.s32 @!p0 s25, $0x2;
	s12 =	simm.s32 @!p0 $0x200;
	[sflag:s0] =	ssyncset.done @!p0 $0x0  }
0x8a: {  	s26 =	simm.s32 @!p0 $0x6400;
	s10 =	sadd.s32 @!p0 $0xA00, s1;
	[sflag:s0] =	ssyncadd.s32 @!p0 $0xFFFFC000  }
0x8b: {  	[tilespmem:s26], [sflag:$0x1] =	stream.indirect.gather @!p0 [hbm4b:s3+s12], $0x20, s10, s12, $0xb8;
	[tilespmem:$0x1A400] =	vst v63  }
0x8c: {  	_ =	swait.ge [sflag:s16], $0x4000  }
0x8d: {  	s29 =	rddreg [dreg:$0x5];
	[sflag:s16] =	ssyncset.done $0x0  }
0x8e: {  	s10 =	simm.s32 @!p0 $0x7;
	[sflag:s16] =	ssyncadd.s32 $0xFFFFC000;
	s0 =	sadd.s32 s25, s29  }
0x8f: {  	[hbm4b:s0+s2] =	stream.linear.scatter [tilespmem:s9], [sflag:$0x7], $0x4000, $0x38;
	[tilespmem:$0x1A400] =	vst v63  }
0x90: {  	_ =	swait.ge @!p0 [sflag:s10], $0x4000  }
0x91: {  	[sflag:s10] =	ssyncset.done @!p0 $0x0  }
0x92: {  	s26 =	simm.s32 @!p0 $0xA400;
	s0 =	sadd.s32 @!p0 $0xC00, s1;
	[sflag:s10] =	ssyncadd.s32 @!p0 $0xFFFFC000  }
0x93: {  	[tilespmem:s26], [sflag:$0x2] =	stream.indirect.gather @!p0 [hbm4b:s3+s12], $0x20, s0, s12, $0xb8;
	[tilespmem:$0x1A400] =	vst v63  }
0x94: {  	_ =	swait.ge [sflag:s17], $0x4000  }
0x95: {  	s30 =	rddreg [dreg:$0x9];
	[sflag:s17] =	ssyncset.done $0x0  }
0x96: {  	s10 =	simm.s32 @p0 $0x4;
	[sflag:s17] =	ssyncadd.s32 $0xFFFFC000;
	s0 =	sadd.s32 s25, s30  }
0x97: {  	[hbm4b:s0+s2] =	stream.linear.scatter [tilespmem:s11], [sflag:$0x8], $0x4000, $0x38;
	[tilespmem:$0x1A400] =	vst v63  }
0x98: {  	_ =	swait.ge @p0 [sflag:s10], $0x4000  }
0x99: {  	s28 =	simm.s32 @!p0 $0x8;
	s26 =	simm.s32 @p0 $0x12400;
	[sflag:s10] =	ssyncset.done @p0 $0x0  }
0x9a: {  	s0 =	rddreg [dreg:$0x4];
	[sflag:s10] =	ssyncadd.s32 @p0 $0xFFFFC000;
	s10 =	simm.s32 @p0 $0x0  }
0x9b: {  	[hbm4b:s0+s10] =	stream.linear.scatter @p0 [tilespmem:s26], [sflag:$0x9], $0x4000, $0x38;
	[tilespmem:$0x1A400] =	vst v63  }
0x9c: {  	_ =	swait.ge @!p0 [sflag:s28], $0x4000  }
0x9d: {  	s0 =	sadd.s32 @!p0 $0xE00, s1;
	[sflag:s28] =	ssyncset.done @!p0 $0x0  }
0x9e: {  	s10 =	simm.s32 @!p0 $0xE400;
	s26 =	simm.s32 @!p0 $0x4;
	[sflag:s28] =	ssyncadd.s32 @!p0 $0xFFFFC000  }
0x9f: {  	[tilespmem:s10], [sflag:$0x3] =	stream.indirect.gather @!p0 [hbm4b:s3+s12], $0x20, s0, s12, $0xb8;
	[tilespmem:$0x1A400] =	vst v63  }
0xa0: {  	s28 =	simm.s32 @!p0 $0x9;
	_ =	swait.ge @!p0 [sflag:s26], $0x4000  }
0xa1: {  	s10 =	simm.s32 @!p0 $0x0;
	s0 =	rddreg [dreg:$0x8];
	[sflag:s26] =	ssyncset.done @!p0 $0x0  }
0xa2: {  	[sflag:s26] =	ssyncadd.s32 @!p0 $0xFFFFC000;
	s26 =	simm.s32 @!p0 $0x12400;
	s0 =	sadd.s32 @!p0 s25, s0  }
0xa3: {  	[hbm4b:s0+s10] =	stream.linear.scatter @!p0 [tilespmem:s26], [sflag:$0x9], $0x4000, $0x38;
	[tilespmem:$0x1A400] =	vst v63  }
0xa4: {  	_ =	swait.ge @!p0 [sflag:s28], $0x4000  }
0xa5: {  	[sflag:s28] =	ssyncset.done @!p0 $0x0  }
0xa6: {  	s0 =	sadd.s32 @!p0 $0x1000, s1;
	[sflag:s28] =	ssyncadd.s32 @!p0 $0xFFFFC000  }
0xa7: {  	[tilespmem:s26], [sflag:$0x4] =	stream.indirect.gather @!p0 [hbm4b:s3+s12], $0x20, s0, s12, $0xb8;
	[tilespmem:$0x1A400] =	vst v63  }
0xa8: {  	_ =	swait.ge [sflag:s18], $0x4000  }
0xa9: {  	s31 =	rddreg [dreg:$0x7];
	[sflag:s18] =	ssyncset.done $0x0  }
0xaa: {  	[sflag:s18] =	ssyncadd.s32 $0xFFFFC000;
	s0 =	sadd.s32 s25, s31  }
0xab: {  	[hbm4b:s0+s2] =	stream.linear.scatter [tilespmem:s14], [sflag:$0xA], $0x4000, $0x38;
	[tilespmem:$0x1A400] =	vst v63  }
0xac: {  	_ =	swait.ge [sflag:s19], $0x4000  }
0xad: {  	[sflag:s19] =	ssyncset.done $0x0  }
0xae: {  	[sflag:s19] =	ssyncadd.s32 $0xFFFFC000  }
0xaf: {  	_ =	swait.ge [sflag:s20], $0x4000  }
0xb0: {  	[sflag:s20] =	ssyncset.done $0x0  }
0xb1: {  	[sflag:s20] =	ssyncadd.s32 $0xFFFFC000  }
0xb2: {  	_ =	swait.ge [sflag:s21], $0x4000  }
0xb3: {  	[sflag:s21] =	ssyncset.done $0x0  }
0xb4: {  	s24 =	sadd.s32 $0x1, s24;
	[sflag:s21] =	ssyncadd.s32 $0xFFFFC000  }
0xb5: {  	p0 =	sne.s32 s24, s5;
	_ =	swait.ge [sflag:s22], $0x4000  }
.Ltmp1:
0xb6: {  	[sflag:s22] =	ssyncset.done $0x0;
	(pc) =	sbr.rel @p0 .LBB2_1-.Ltmp1, $4  }
0xb7: {  	[sflag:s22] =	ssyncadd.s32 $0xFFFFC000  }
0xb8: {  	_ =	swait.ge [sflag:s23], $0x4000  }
0xb9: {  	[sflag:s23] =	ssyncset.done $0x0  }
0xba: {  	[sflag:s23] =	ssyncadd.s32 $0xFFFFC000  }
0xbb: {  	_ =	sfence.sel $0x180000  }
0xbc: {  	[bflag:$0x0] =	sbarrier.arrive $0xFFFF  }
0xbd: {  	_ =	strace $0x90000047  }
0xbe: {  	s0 =	stileid.u32;
	[bflag:$0x2] =	sbarrier.arrive $0xFFFF  }
0xbf: {  	p0 =	sne.s32 s0, $0x0;
	s0 =	rddreg [dreg:$0x3]  }
0xc0: {  	s0 =	sadd.s32 @!p0 $0x100000, s0  }
0xc1: {  	[sflag:s0] =	ssyncadd.tile.s32 @!p0 $0x1;
	_ =	shalt  }
.Lfunc_end2:
_tile_overlayer_lowered:
.L_overlay_start_2:
0xc2: {  	(tag) =	ssettag $0x2  }
0xc3: {  	s0 =	rddreg [dreg:$0x0];
	s2 =	stileid.u32  }
0xc4: {  	s1 =	rddreg [dreg:$0x1];
	p0 =	sne.s32 s2, $0x0  }
0xc5: {  	s3 =	rddreg [dreg:$0x2];
	[bflag:$0x3] =	sbarrier.arrive $0xFFFF;
	s2 =	simm.s32 @!p0 $0x1C0B  }
0xc6: {  	[timem:s3], [sflag:s2] =	dma.local @!p0 [hbm:s0], s1  }
0xc7: {  	s0 =	simm.s32 @!p0 $0xB  }
0xc8: {  	_ =	swait.ge @!p0 [sflag:s0], s1  }
0xc9: {  	s1 =	ssub.s32 @!p0 $0x0, s1;
	[sflag:s0] =	ssyncset.done @!p0 $0x0  }
0xca: {  	[sflag:s0] =	ssyncadd.s32 @!p0 s1  }
0xcb: {  	[bflag:$0x3] =	sbarrier.arrive $0xFFFF  }
0xcc: {  	_ =	shalt  }

// kernel: sparse-core-data-format-call.cloned.1.call-start
scs
called_computation_lowered:
.L_overlay_start_0:
0x0: {  	s2 =	sld [smem:$0x3FD9]  }
0x1: {  	s3 =	sld [smem:$0x3FFE];
	_ =	sdelay $0x1  }
0x2: {  	s1 =	srdreg.scid  }
0x3: {  	s0 =	sand.u32 $0x1, s1  }
0x4: {  	s18 =	sshll.u32 s0, $0xA;
	s2 =	sadd.s32 s3, s2  }
0x5: {  	s2 =	sadd.s32 s2, s18  }
0x6: {  	[smem:$0x3FC6] =	sst s2  }
0x7: {  	_ = 	snop  }
0x8: {  	s2 =	sld [smem:$0x3FD0];
	(tm) =	ssettm $0x1  }
0x9: {  	s19 =	sld [smem:$0x3FFB];
	_ =	sdelay $0x3  }
0xa: {  	_ =	strace s19  }
0xb: {  	s3 =	sld [smem:$0x3FFC];
	_ =	sdelay $0x3  }
0xc: {  	_ =	strace s3  }
0xd: {  	s3 =	sld [smem:$0x3FFD];
	_ =	sdelay $0x3  }
0xe: {  	_ =	strace s3  }
0xf: {  	_ =	strace $0x8FFFFFFF  }
0x10: {  	s20 =	sld [smem:$0x3FDB];
	_ =	sdelay $0x1  }
0x11: {  	s4 =	simm.s32 $_scs_section_size  }
0x12: {  	s5 =	simm.s32 $_size__tile_overlayer_lowered;
	s6 =	simm.s32 $_tile_overlayer_lowered  }
0x13: {  	s23 =	simm.s32 $0x1BFF;
	s22 =	sshll.u32 s6, $0x1;
	s3 =	sadd.s32 s4, s20  }
0x14: {  	s7 =	simm.s32 $0x0;
	s21 =	sshll.u32 s5, $0x1;
	s5 =	sadd.s32 s22, s3  }
0x15: {  	[timem:s7], [sflag:s23] =	dma.local [hbm:s5], s21  }
0x16: {  	_ =	swait.ge [sflag:s23], s21  }
0x17: {  	s4 =	ssub.s32 $0x0, s21;
	[sflag:s23] =	ssyncset.done $0x0  }
0x18: {  	[sflag:s23] =	ssyncadd.s32 s4;
	_ =	sdelay $0x1  }
0x19: {  	s24 =	simm.s32 $0x1B8B  }
0x1a: {  	_ =	swait.ge [sflag:s24], $0x1  }
0x1b: {  	[sflag:s24] =	ssyncset.done $0x0  }
0x1c: {  	s26 =	simm.s32 $0x1B8E;
	s25 =	sld [smem:$0x3FFE];
	[sflag:s24] =	ssyncadd.s32 $0xFFFFFFFF  }
0x1d: {  	s27 =	simm.s32 $execute0_lowered;
	[smem:$0x3FD2] =	sst s26  }
0x1e: {  	s5 =	sshll.u32 s27, $0x1;
	_ =	strace $0x80000049;
	[dreg:$0x1] =	wrdreg $0xFFFFFFFF  }
0x1f: {  	s28 =	simm.s32 $_size_execute0_lowered;
	s3 =	sadd.s32 s3, s5;
	[dreg:$0x0] =	wrdreg $0x0  }
0x20: {  	s5 =	sshll.u32 s28, $0x1;
	[dreg:$0x2] =	wrdreg s3  }
0x21: {  	[dreg:$0x3] =	wrdreg s5  }
0x22: {  	[dreg:$0x4] =	wrdreg $0xC0  }
0x23: {  	_ =	task [dreg:s7], $0x5FFFF  }
0x24: {  	[dreg:$0x1] =	wrdreg $0xFFFFFFFF  }
0x25: {  	[dreg:$0x0] =	wrdreg $0x60  }
0x26: {  	[dreg:$0x2] =	wrdreg s25  }
0x27: {  	[dreg:$0x3] =	wrdreg s2  }
0x28: {  	[dreg:$0x4] =	wrdreg $0x9  }
0x29: {  	_ =	task.clear_ibuf [dreg:s7], $0x5FFFF;
	_ =	strace $0x90000049  }
0x2a: {  	s29 =	simm.s32 $0x9;
	_ =	strace $0x8000004B  }
0x2b: {  	_ =	swait.ge [sflag:s29], $0x1  }
0x2c: {  	[sflag:s29] =	ssyncadd.s32 $0xFFFFFFFF  }
0x2d: {  	_ =	strace $0x9000004B  }
0x2e: {  	_ =	sfence  }
0x2f: {  	s30 =	sld [smem:$0x0];
	_ =	sdelay $0x2  }
0x30: {  	s31 =	sshll.u32 s1, $0xD;
	s1 =	sshrl.u32 s1, $0x2  }
0x31: {  	s3 =	sand.u32 $0x4000, s31;
	s1 =	sadd.s32 s1, s30  }
0x32: {  	s0 =	sor.u32 s3, s0;
	s1 =	sshll.u32 s1, $0x11  }
0x33: {  	s0 =	sor.u32 s1, s0  }
0x34: {  	s0 =	sadd.s32 $0x8F2B, s0  }
0x35: {  	[sflag:s0] =	ssyncadd.remote.s32 $0x1  }
0x36: {  	_ =	sfence.sel $0xFFFF  }
0x37: {  	[dreg:$0x0] =	wrdreg $0xFFFFFFFF;
	(pc) =	sbr.abs _section_cstart, $3  }
0x38: {  	[dreg:$0x1] =	wrdreg $0xFFFFFFFF  }
0x39: {  	_ =	task.clear_ibuf [dreg:s7], $0x2FFFF;
	_ =	strace $0x9FFFFFFF  }
0x3a: {  	(tm) =	ssettm $0x7FFFFFFF  }
0x3b: {  	_ =	shalt  }
tec
execute0_lowered:
.L_overlay_start_1:
0x0: {  	(tag) =	ssettag $0x1  }
0x1: {  	s0 =	srdreg.scid  }
0x2: {  	s1 =	sshll.u32 s0, $0x4  }
0x3: {  	s4 =	rddreg [dreg:$0x0];
	s0 =	stileid.u32;
	s1 =	sand.u32 $0x10, s1  }
0x4: {  	s2 =	rddreg [dreg:$0x1];
	s7 =	simm.s32 $0x1;
	s1 =	sor.u32 s0, s1  }
0x5: {  	s8 =	simm.s32 $0x2;
	s11 =	simm.s32 $0x0;
	s3 =	sshll.u32 s1, $0x7  }
0x6: {  	s10 =	simm.s32 $0x0;
	s4 =	sadd.s32 $0x800, s4;
	s6 =	ssub.s32 $0xC8000, s3  }
.Ltmp0:
0x7: {  	s1 =	rddreg [dreg:$0x2];
	s5 =	sand.u32 $0xF80, s6;
	(pc) =	sbr.rel .LBB1_1-.Ltmp0, $4  }
0x8: {  	_ =	strace $0x8000004A;
	s9 =	smov.u32 s3;
	p0 =	sne.s32 s5, $0x0  }
0x9: {  	s6 =	sshrl.u32 s6, $0xC;
	s5 =	simm.s32 $0x1;
	s7 =	simm.s32 @!p0 $0x0  }
0xa: {  	[sflag:s5] =	ssyncpa.u1 $0x0;
	p0 =	por $0x0, $0x0;
	s6 =	sadd.s32 s7, s6  }
0xb: {  	[sflag:s8] =	ssyncpa.u1 $0x0;
	s8 =	simm.s32 $0x640000;
	s7 =	sadd.s32 $0x1, s6  }
.LBB1_4:
0xc: {  	s14 =	sshll.u32 s11, $0x3  }
0xd: {  	s30 =	sand.u32 $0x7F, s11;
	s15 =	sand.u32 $0xFFFFFC00, s14  }
0xe: {  	s11 =	sor.u32 s30, s15  }
0xf: {  	s15 =	smulhi.u32 $0x51EB851F, s11  }
0x10: {  	s14 =	smulhi.u32 $0x51EB851F, s14  }
0x11: {  	s15 =	sshrl.u32 s15, $0x12  }
0x12: {  	s14 =	sshrl.u32 s14, $0x12;
	s15 =	smul.u32 $0xC8000, s15  }
0x13: {  	s14 =	sand.u32 $0x1F, s14  }
0x14: {  	s14 =	smul.u32 $0x19000, s14;
	s11 =	ssub.s32 s11, s15  }
0x15: {  	s15 =	sand.u32 $0x7, s11  }
0x16: {  	s14 =	sadd.s32 s2, s14;
	s11 =	sshrl.u32 s11, $0x3;
	s15 =	sshll.u32 s15, $0x12  }
0x17: {  	[tilespmem:s13+$0x0 ss:$0x81] =	vst.msk $0xffff, v0;
	s11 =	sadd.s32 s11, s14;
	s31 =	sor.u32 $0x400, s15  }
0x18: {  	[hbm4b:s11+s31] =	stream.strided.scatter [tilespmem:s12], [sflag:$0x2], $0x1000, s8, s31, $0x20;
	[tilespmem:$0x4040] =	vst v63  }
.LBB1_5:
0x19: {  	s13 =	sadd.s32 $0x1000, s9  }
0x1a: {  	p2 =	sgt.s32 s13, $0xC7FFF  }
0x1b: {  	s13 =	smov.u32 @p2 s3;
	p2 =	sne.s32 s10, s7  }
.Ltmp1:
0x1c: {  	p1 =	slt.u32 s10, $0x2;
	(pc) =	sbr.rel @!p2 .LBB1_6-.Ltmp1, $4  }
0x1d: {  	s12 =	simm.s32 @!p1 $0x2  }
0x1e: {  	s14 =	sadd.s32 $0x1, s10;
	_ =	swait.ge @!p1 [sflag:s12], $0x1000  }
0x1f: {  	s11 =	smov.u32 s9;
	p0 =	por !p0, !p0;
	[sflag:s12] =	ssyncset.done @!p1 $0x0  }
0x20: {  	s10 =	smov.u32 s14;
	s9 =	smov.u32 s13;
	[sflag:s12] =	ssyncadd.s32 @!p1 $0xFFFFF000  }
.LBB1_1:
0x21: {  	p1 =	sge.u32 s10, s6  }
0x22: {  	s12 =	sand.u32 @!p1 $0x1FFFFFF, s9  }
0x23: {  	s13 =	smulhi.u32 @!p1 $0x147AE15, s12;
	_ =	sdelay $0x1  }
0x24: {  	s13 =	sshrl.u32 @!p1 s13, $0xC  }
0x25: {  	s13 =	smul.u32 @!p1 $0xC8000, s13;
	_ =	sdelay $0x1  }
0x26: {  	s31 =	sadd.s32 $0xFFFFFFFF, s10;
	s14 =	sxor.u32 @!p1 $0xFFFFFFFF, s10;
	s12 =	ssub.s32 @!p1 s12, s13  }
0x27: {  	s15 =	simm.s32 @!p1 $0x80;
	s14 =	sshll.u32 @!p1 s14, $0xC;
	s12 =	sshll.u32 @!p1 s12, $0x4  }
0x28: {  	s13 =	sand.u32 @!p1 $0x1000, s14;
	s14 =	simm.s32 @!p1 $0x20;
	s12 =	sadd.s32 @!p1 s4, s12  }
0x29: {  	[tilespmem:s13], [sflag:$0x1] =	stream.strided.gather @!p1 [hbm4b:s12+s14], $0x1000, s15, s14, $0x38;
	[tilespmem:$0x4040] =	vst v63  }
0x2a: {  	p1 =	sge.u32 s31, s6  }
.Ltmp2:
0x2b: {  	_ = 	snop;
	(pc) =	sbr.rel @p1 .LBB1_5-.Ltmp2, $1  }
0x2c: {  	_ =	sdelay $0x3  }
0x2d: {  	s12 =	simm.s32 $0x1  }
0x2e: {  	_ =	swait.ge [sflag:s5], $0x1000;
	s12 =	simm.s32 @!p0 $0x0  }
0x2f: {  	[sflag:s5] =	ssyncset.done $0x0;
	s13 =	sshll.u32 s12, $0xC  }
0x30: {  	[sflag:s5] =	ssyncadd.s32 $0xFFFFF000;
	s16 =	sor.u32 $0x10, s13  }
0x31: {  	s12 =	smul.u32 $0x4080, s12;
	v1 =	vld [tilespmem:s16+$0x0]  }
0x32: {  	s30 =	sand.u32 $0x1, s10;
	v0 =	vld [tilespmem:s16+$0xFFFFFFF0]  }
0x33: {  	s13 =	smul.u32 $0x4080, s30;
	s12 =	sshrl.u32 s12, $0x2  }
0x34: {  	s14 =	sor.u32 $0x2000, s12  }
0x35: {  	s31 =	sshrl.u32 s13, $0x2;
	s13 =	sadd.s32 $0x0, s14  }
0x36: {  	s15 =	simm.s32 $0x4;
	s16 =	sadd.s32 $0x20, s16;
	s12 =	sor.u32 $0x2000, s31;
	[tilespmem:s13+$0x810 ss:$0x81] =	vst.msk $0xffff, v1  }
.LBB1_3:
0x37: {  	v1 =	vld [tilespmem:s16+$0x0];
	p1 =	sne.s32 s15, $0x1FC;
	[tilespmem:s13+$0x0 ss:$0x81] =	vst.msk $0xffff, v0;
	s13 =	smov.u32 s15;
	s15 =	sadd.s32 $0x4, s15  }
.Ltmp3:
0x38: {  	v0 =	vld [tilespmem:s16+$0xFFFFFFF0];
	(pc) =	sbr.rel @p1 .LBB1_3-.Ltmp3, $4  }
0x39: {  	_ = 	snop  }
0x3a: {  	s13 =	sshra.s32 s13, $0x2  }
0x3b: {  	s13 =	sadd.s32 s13, s14  }
0x3c: {  	s16 =	sadd.s32 $0x20, s16;
	[tilespmem:s13+$0x810 ss:$0x81] =	vst.msk $0xffff, v1  }
.Ltmp4:
0x3d: {  	_ = 	snop;
	(pc) =	sbr.rel .LBB1_4-.Ltmp4, $1  }
0x3e: {  	_ =	sdelay $0x3  }
.LBB1_6:
0x3f: {  	_ =	sfence.sel $0x180000  }
0x40: {  	s2 =	simm.s32 $0x1;
	[bflag:$0x0] =	sbarrier.arrive $0xFFFF  }
0x41: {  	s31 =	simm.s32 $0x2;
	[sflag:s2] =	ssyncpa.u1 $0x1  }
0x42: {  	[sflag:s31] =	ssyncpa.u1 $0x1  }
0x43: {  	p0 =	sne.s32 s0, $0x0;
	_ =	strace $0x9000004A  }
0x44: {  	s0 =	sadd.s32 @!p0 $0x100000, s1;
	[bflag:$0x2] =	sbarrier.arrive $0xFFFF  }
0x45: {  	[sflag:s0] =	ssyncadd.tile.s32 @!p0 $0x1;
	_ =	shalt  }
.Lfunc_end1:
_tile_overlayer_lowered:
.L_overlay_start_2:
0x46: {  	(tag) =	ssettag $0x2  }
0x47: {  	s0 =	rddreg [dreg:$0x0];
	s2 =	stileid.u32  }
0x48: {  	s1 =	rddreg [dreg:$0x1];
	p0 =	sne.s32 s2, $0x0  }
0x49: {  	s3 =	rddreg [dreg:$0x2];
	[bflag:$0x3] =	sbarrier.arrive $0xFFFF;
	s2 =	simm.s32 @!p0 $0x1C01  }
0x4a: {  	[timem:s3], [sflag:s2] =	dma.local @!p0 [hbm:s0], s1  }
0x4b: {  	s0 =	simm.s32 @!p0 $0x1  }
0x4c: {  	_ =	swait.ge @!p0 [sflag:s0], s1  }
0x4d: {  	s1 =	ssub.s32 @!p0 $0x0, s1;
	[sflag:s0] =	ssyncset.done @!p0 $0x0  }
0x4e: {  	[sflag:s0] =	ssyncadd.s32 @!p0 s1  }
0x4f: {  	[bflag:$0x3] =	sbarrier.arrive $0xFFFF  }
0x50: {  	_ =	shalt  }

</sc_bundles>
